<compile_context>
chip_gen: v7x
topology: tpu7x:2x2x1
jax: 0.10.2.dev20260603
libtpu: 0.0.44.dev20260713+nightly
codegen_flags: <defaults>
</compile_context>

<pallas_src>
import functools

import jax
import jax.numpy as jnp
from jax import lax
from jax.experimental import pallas as pl
from jax.experimental.pallas import tpu as pltpu
from jax.experimental.pallas import tpu_sc as plsc

B, N = 16, 4096
SA_SPECS = [
    dict(npoint=512, radius=0.2, nsample=32, channels=[8, 64, 64, 128], group_all=False),
    dict(npoint=128, radius=0.4, nsample=64, channels=[131, 128, 128, 256], group_all=False),
    dict(npoint=None, radius=None, nsample=None, channels=[259, 256, 512, 1024], group_all=True),
]

_NC, _NS = 2, 16
_NW = _NC * _NS


def _fold_bn(layer_params):
    inv = 1.0 / jnp.sqrt(1.0 + 1e-5)
    folded = []
    for (w, b, g, be) in layer_params:
        scale = inv * g
        folded.append((w.T * scale[None, :], b * scale + be))
    return folded



def _sc_gather(table, idx, chunk):
    M = idx.shape[0]
    T, D = table.shape
    m = M // _NW
    assert M % _NW == 0 and m % chunk == 0 and chunk % 8 == 0 and D % 16 == 0
    nch = m // chunk
    mesh = plsc.VectorSubcoreMesh(core_axis_name="c", subcore_axis_name="s")

    @functools.partial(
        pl.kernel,
        mesh=mesh,
        out_type=jax.ShapeDtypeStruct((M, D), jnp.float32),
        compiler_params=pltpu.CompilerParams(use_tc_tiling_on_sc=False),
        scratch_types=[
            pltpu.VMEM((chunk,), jnp.int32),
            pltpu.VMEM((chunk, D), jnp.float32),
            pltpu.SemaphoreType.DMA,
        ],
    )
    def gk(table_hbm, idx_hbm, out_hbm, idx_v, rows_v, sem):
        wid = lax.axis_index("s") * _NC + lax.axis_index("c")
        base = pl.multiple_of(wid * m, chunk)

        def body(j, carry):
            off = pl.multiple_of(base + j * chunk, chunk)
            pltpu.sync_copy(idx_hbm.at[pl.ds(off, chunk)], idx_v)
            pltpu.async_copy(table_hbm.at[idx_v], rows_v, sem).wait()
            pltpu.sync_copy(rows_v, out_hbm.at[pl.ds(off, chunk)])
            return carry

        lax.fori_loop(0, nch, body, 0)

    return gk(table, idx)



def _mlp_maxpool_body(x_ref, *refs, nsample, nlayers):
    out_ref = refs[-1]
    ws = refs[:-1]
    x = x_ref[...]
    for i in range(nlayers):
        w = ws[2 * i][...]
        b = ws[2 * i + 1][...]
        x = jnp.dot(x.astype(jnp.bfloat16), w.astype(jnp.bfloat16),
                    preferred_element_type=jnp.float32) + b[None, :]
        x = jnp.maximum(x, 0.0)
    g = x.shape[0] // nsample
    out_ref[...] = jnp.max(x.reshape(g, nsample, x.shape[1]), axis=1)


def _mlp_maxpool(x, folded, nsample, block_groups):
    G = x.shape[0]
    cin = x.shape[-1]
    cout = folded[-1][0].shape[1]
    nlayers = len(folded)
    x2 = x.reshape(G * nsample, cin)
    grid = (G // block_groups,)
    in_specs = [pl.BlockSpec((block_groups * nsample, cin), lambda i: (i, 0))]
    wargs = []
    for (Wt, bt) in folded:
        in_specs.append(pl.BlockSpec(Wt.shape, lambda i: (0, 0)))
        in_specs.append(pl.BlockSpec(bt.shape, lambda i: (0,)))
        wargs += [Wt, bt]
    return pl.pallas_call(
        functools.partial(_mlp_maxpool_body, nsample=nsample, nlayers=nlayers),
        grid=grid,
        in_specs=in_specs,
        out_specs=pl.BlockSpec((block_groups, cout), lambda i: (i, 0)),
        out_shape=jax.ShapeDtypeStruct((G, cout), jnp.float32),
    )(x2, *wargs)



def _fps_body(x_ref, y_ref, z_ref, out_ref, *, npoint):
    x = x_ref[...]
    y = y_ref[...]
    z = z_ref[...]
    Nn, Bb = x.shape
    iota_n = lax.broadcasted_iota(jnp.int32, (Nn, Bb), 0)

    def body(i, state):
        distance, farthest = state
        out_ref[pl.ds(i, 1), :] = farthest
        mask = (iota_n == farthest).astype(jnp.float32)
        cx = jnp.sum(x * mask, axis=0, keepdims=True)
        cy = jnp.sum(y * mask, axis=0, keepdims=True)
        cz = jnp.sum(z * mask, axis=0, keepdims=True)
        dx = x - cx
        dy = y - cy
        dz = z - cz
        dist = dx * dx + dy * dy + dz * dz
        distance = jnp.minimum(distance, dist)
        maxv = jnp.max(distance, axis=0, keepdims=True)
        eq = (distance == maxv).astype(jnp.int32)
        far = jnp.min(iota_n * eq + Nn * (1 - eq), axis=0, keepdims=True)
        return (distance, far)

    dist0 = x * 0.0 + 1e10
    far0 = jnp.zeros((1, Bb), jnp.int32)
    lax.fori_loop(0, npoint, body, (dist0, far0))


def _fps_pallas(xyz, npoint):
    Bb = xyz.shape[0]
    x = xyz[..., 0].T
    y = xyz[..., 1].T
    z = xyz[..., 2].T
    out = pl.pallas_call(
        functools.partial(_fps_body, npoint=npoint),
        out_shape=jax.ShapeDtypeStruct((npoint, Bb), jnp.int32),
    )(x, y, z)
    return out.T



def _square_distance(src, dst):
    d = -2.0 * jnp.einsum('bsc,bnc->bsn', src, dst)
    d = d + jnp.sum(src ** 2, -1)[:, :, None] + jnp.sum(dst ** 2, -1)[:, None, :]
    return d


def _query_ball_point(radius, nsample, xyz, new_xyz):
    Bb, Nn, _ = xyz.shape
    S = new_xyz.shape[1]
    sqr = _square_distance(new_xyz, xyz)
    base = jnp.broadcast_to(jnp.arange(Nn, dtype=jnp.int32), (Bb, S, Nn))
    group_idx = jnp.where(sqr > radius ** 2, Nn, base)
    group_idx = -lax.top_k(-group_idx, nsample)[0]
    group_first = group_idx[:, :, :1]
    group_idx = jnp.where(group_idx == Nn, group_first, group_idx)
    return group_idx


def _flat_idx(idx, stride):
    idx = jnp.minimum(idx, stride - 1)
    Bb = idx.shape[0]
    off = (jnp.arange(Bb, dtype=jnp.int32) * stride).reshape((Bb,) + (1,) * (idx.ndim - 1))
    return (idx + off).reshape(-1)


def kernel(xyz, features, params):
    l_xyz = jnp.transpose(xyz, (0, 2, 1))
    l_pts = jnp.transpose(features, (0, 2, 1))
    f1 = _fold_bn(params[0])
    f2 = _fold_bn(params[1])
    f3 = _fold_bn(params[2])

    table1 = jnp.concatenate(
        [l_xyz, l_pts, jnp.zeros((B, N, 8), jnp.float32)], axis=-1).reshape(B * N, 16)
    fps1 = _fps_pallas(l_xyz, 512)
    newg = _sc_gather(table1, _flat_idx(fps1, N), 256)
    new_xyz1 = newg.reshape(B, 512, 16)[..., :3]
    idx1 = _query_ball_point(0.2, 32, l_xyz, new_xyz1)
    g1 = _sc_gather(table1, _flat_idx(idx1, N), 2048).reshape(B, 512, 32, 16)
    grouped1 = jnp.concatenate(
        [g1[..., :3] - new_xyz1[:, :, None, :], g1[..., 3:8]], axis=-1)
    pts1 = _mlp_maxpool(grouped1.reshape(B * 512, 32, 8), f1, 32, 64).reshape(B, 512, 128)

    table2 = jnp.concatenate(
        [new_xyz1, pts1, jnp.zeros((B, 512, 13), jnp.float32)], axis=-1).reshape(B * 512, 144)
    fps2 = _fps_pallas(new_xyz1, 128)
    newg2 = _sc_gather(table2, _flat_idx(fps2, 512), 64)
    new_xyz2 = newg2.reshape(B, 128, 144)[..., :3]
    idx2 = _query_ball_point(0.4, 64, new_xyz1, new_xyz2)
    g2 = _sc_gather(table2, _flat_idx(idx2, 512), 512).reshape(B, 128, 64, 144)
    grouped2 = jnp.concatenate(
        [g2[..., :3] - new_xyz2[:, :, None, :], g2[..., 3:131]], axis=-1)
    pts2 = _mlp_maxpool(grouped2.reshape(B * 128, 64, 131), f2, 64, 16).reshape(B, 128, 256)

    grouped3 = jnp.concatenate([new_xyz2, pts2], axis=-1)
    out = _mlp_maxpool(grouped3, f3, 128, 16)
    return out

# --- scband reference (transcript-rebuilt; emitter-appended) ---
"""Pipeline reference for scband-point-net-plus-plus-33964601376854 (READ-ONLY COPY).

The authoritative reference and input builder live on the scoring server;
editing this copy changes nothing except your own understanding.
"""

import jax, jax.numpy as jnp
import numpy as np

B, N, NUM_FEATURES = 16, 4096, 5
SA_SPECS = [
    dict(npoint=512, radius=0.2, nsample=32, channels=[8, 64, 64, 128], group_all=False),
    dict(npoint=128, radius=0.4, nsample=64, channels=[131, 128, 128, 256], group_all=False),
    dict(npoint=None, radius=None, nsample=None, channels=[259, 256, 512, 1024], group_all=True),
]


def square_distance(src, dst):
    d = -2.0 * jnp.einsum('bsc,bnc->bsn', src, dst)
    d = d + jnp.sum(src ** 2, -1)[:, :, None] + jnp.sum(dst ** 2, -1)[:, None, :]
    return d


def index_points(points, idx):
    return jax.vmap(lambda p, i: p[i])(points, idx)


def farthest_point_sample(xyz, npoint):
    xyz = jax.lax.stop_gradient(xyz)
    Bb, Nn, _ = xyz.shape

    def body(i, state):
        centroids, distance, farthest = state
        centroids = centroids.at[:, i].set(farthest)
        centroid = jax.vmap(lambda p, f: p[f])(xyz, farthest)[:, None, :]
        dist = jnp.sum((xyz - centroid) ** 2, -1)
        distance = jnp.minimum(distance, dist)
        farthest = jnp.argmax(distance, axis=-1).astype(jnp.int32)
        return (centroids, distance, farthest)

    centroids = jnp.zeros((Bb, npoint), dtype=jnp.int32)
    distance = jnp.full((Bb, Nn), 1e10, dtype=jnp.float32)
    farthest = jnp.zeros((Bb,), dtype=jnp.int32)
    centroids, _, _ = jax.lax.fori_loop(0, npoint, body, (centroids, distance, farthest))
    return centroids


def query_ball_point(radius, nsample, xyz, new_xyz):
    Bb, Nn, _ = xyz.shape
    S = new_xyz.shape[1]
    sqr = square_distance(new_xyz, xyz)
    base = jnp.broadcast_to(jnp.arange(Nn, dtype=jnp.int32), (Bb, S, Nn))
    group_idx = jnp.where(sqr > radius ** 2, Nn, base)
    group_idx = jnp.sort(group_idx, axis=-1)[:, :, :nsample]
    group_first = group_idx[:, :, :1]
    group_idx = jnp.where(group_idx == Nn, group_first, group_idx)
    return group_idx


def mlp_bn_relu(x, layer_params):
    inv = 1.0 / jnp.sqrt(1.0 + 1e-5)
    for (w, b, g, be) in layer_params:
        x = jnp.einsum('...c,oc->...o', x, w) + b
        x = x * inv * g + be
        x = jax.nn.relu(x)
    return x


def set_abstraction(xyz, points, spec, layer_params):
    if spec['group_all']:
        new_xyz = jnp.zeros((xyz.shape[0], 1, 3), xyz.dtype)
        grouped = jnp.concatenate([xyz[:, None, :, :], points[:, None, :, :]], axis=-1)
    else:
        fps_idx = farthest_point_sample(xyz, spec['npoint'])
        new_xyz = index_points(xyz, fps_idx)
        idx = query_ball_point(spec['radius'], spec['nsample'], xyz, new_xyz)
        grouped_xyz = index_points(xyz, idx) - new_xyz[:, :, None, :]
        grouped_points = index_points(points, idx)
        grouped = jnp.concatenate([grouped_xyz, grouped_points], axis=-1)
    x = mlp_bn_relu(grouped, layer_params)
    new_points = jnp.max(x, axis=2)
    return new_xyz, new_points


def pointnet2_forward(xyz, features, params):
    l_xyz = jnp.transpose(xyz, (0, 2, 1))
    l_pts = jnp.transpose(features, (0, 2, 1))
    for spec, lp in zip(SA_SPECS, params):
        l_xyz, l_pts = set_abstraction(l_xyz, l_pts, spec, lp)
    return l_pts.reshape(l_pts.shape[0], -1)


def setup_inputs(seed: int = 0):
    key = jax.random.key(seed)
    ks = jax.random.split(key, 32)
    xyz = jax.random.normal(ks[0], (B, 3, N), dtype=jnp.float32)
    features = jax.random.normal(ks[1], (B, NUM_FEATURES, N), dtype=jnp.float32)
    params = []
    ki = 2
    for spec in SA_SPECS:
        ch = spec['channels']
        layer = []
        for cin, cout in zip(ch[:-1], ch[1:]):
            w = jax.random.normal(ks[ki], (cout, cin), dtype=jnp.float32) * (1.0 / np.sqrt(cin))
            ki += 1
            b = jnp.zeros((cout,), jnp.float32)
            g = jnp.ones((cout,), jnp.float32)
            be = jnp.zeros((cout,), jnp.float32)
            layer.append((w, b, g, be))
        params.append(layer)
    return {'xyz': xyz, 'features': features, 'params': params}


def reference(xyz, features, params):
    return pointnet2_forward(xyz, features, params)

if __name__ == "__main__":
    import jax
    _d = setup_inputs()
    print(jax.jit(kernel)(*tuple(_d.values())))

</pallas_src>

<mosaic_0001>
#map = affine_map<(d0, d1) -> (0, 0)>
#map1 = affine_map<(d0, d1) -> (0)>
module attributes {stable_mosaic.version = 14 : i64} {
  func.func @gk(%arg0: i32, %arg1: i32, %arg2: memref<65536x16xf32, #tpu.memory_space<hbm>>, %arg3: memref<8192xi32, #tpu.memory_space<hbm>>, %arg4: memref<8192x16xf32, #tpu.memory_space<hbm>>, %arg5: memref<256xi32, #tpu.memory_space<vmem>>, %arg6: memref<256x16xf32, #tpu.memory_space<vmem>>, %arg7: memref<!tpu.dma_semaphore, #tpu.memory_space<semaphore_mem>>) attributes {dimension_semantics = [#tpu.dimension_semantics<core_parallel>, #tpu.dimension_semantics<subcore_parallel>], iteration_bounds = array<i64: 2, 16>, scalar_prefetch = 0 : i64, scratch_operands = 3 : i64, tpu.core_type = #tpu.core_type<sc_vector_subcore>, window_params = [{transform_indices = #map}, {transform_indices = #map1}, {transform_indices = #map}]} {
    %mul3A = arith.constant 2 : i32
    %mul3A_0 = arith.muli %arg1, %mul3A : i32
    %add3A = arith.addi %mul3A_0, %arg0 : i32
    %mul3A_1 = arith.constant 256 : i32
    %mul3A_2 = arith.muli %add3A, %mul3A_1 : i32
    %multiple_of3A = tpu.assume_multiple %mul3A_2, 256 : i32
    %scan3A = arith.constant 0 : i32
    %scan3A_3 = arith.constant 0 : i32
    %mul3A_4 = arith.constant 256 : i32
    %mul3A_5 = arith.muli %scan3A_3, %mul3A_4 : i32
    %add3A_6 = arith.addi %multiple_of3A, %mul3A_5 : i32
    %multiple_of3A_7 = tpu.assume_multiple %add3A_6, 256 : i32
    "tpu.region"() ({
      %run_scoped3A = tpu.sem_alloc : memref<!tpu.dma_semaphore, #tpu.memory_space<semaphore_mem>>
      %dma_start3A_13 = tpu.memref_slice %arg3[%multiple_of3A_7] : memref<8192xi32, #tpu.memory_space<hbm>> -> memref<256xi32, #tpu.memory_space<hbm>>
      %dma_start3A_14 = tpu.memref_slice %arg3[%multiple_of3A_7] : memref<8192xi32, #tpu.memory_space<hbm>> -> memref<256xi32, #tpu.memory_space<hbm>>
      tpu.enqueue_dma source(%dma_start3A_14 : memref<256xi32, #tpu.memory_space<hbm>>) target(%arg5 : memref<256xi32, #tpu.memory_space<vmem>>) target_semaphore(%run_scoped3A : memref<!tpu.dma_semaphore, #tpu.memory_space<semaphore_mem>>)
      %dma_wait3A_15 = tpu.memref_slice %arg3[%multiple_of3A_7] : memref<8192xi32, #tpu.memory_space<hbm>> -> memref<256xi32, #tpu.memory_space<hbm>>
      %dma_wait3A_16 = tpu.memref_slice %arg3[%multiple_of3A_7] : memref<8192xi32, #tpu.memory_space<hbm>> -> memref<256xi32, #tpu.memory_space<hbm>>
      tpu.wait_dma2 semaphore(%run_scoped3A : memref<!tpu.dma_semaphore, #tpu.memory_space<semaphore_mem>>) src(%dma_wait3A_16 : memref<256xi32, #tpu.memory_space<hbm>>) dst(%arg5 : memref<256xi32, #tpu.memory_space<vmem>>)
      tpu.yield
    }) : () -> ()
    %dma_start3A = arith.constant 0 : i32
    %dma_start3A_8 = arith.constant 0 : i32
    %dma_start3A_9 = tpu.memref_slice %arg2[%dma_start3A, %dma_start3A_8] : memref<65536x16xf32, #tpu.memory_space<hbm>> -> memref<65536x16xf32, #tpu.memory_space<hbm>>
    tpu.enqueue_indirect_dma source(%dma_start3A_9 : memref<65536x16xf32, #tpu.memory_space<hbm>>) target(%arg6 : memref<256x16xf32, #tpu.memory_space<vmem>>) offsets(%arg5 : memref<256xi32, #tpu.memory_space<vmem>>) semaphore(%arg7 : memref<!tpu.dma_semaphore, #tpu.memory_space<semaphore_mem>>)
    %dma_wait3A = arith.constant 0 : i32
    %dma_wait3A_10 = arith.constant 0 : i32
    %dma_wait3A_11 = tpu.memref_slice %arg2[%dma_wait3A, %dma_wait3A_10] : memref<65536x16xf32, #tpu.memory_space<hbm>> -> memref<65536x16xf32, #tpu.memory_space<hbm>>
    tpu.wait_indirect_dma semaphore(%arg7 : memref<!tpu.dma_semaphore, #tpu.memory_space<semaphore_mem>>) src(%dma_wait3A_11 : memref<65536x16xf32, #tpu.memory_space<hbm>>) dst(%arg6 : memref<256x16xf32, #tpu.memory_space<vmem>>)
    "tpu.region"() ({
      %run_scoped3A = tpu.sem_alloc : memref<!tpu.dma_semaphore, #tpu.memory_space<semaphore_mem>>
      %dma_start3A_13 = arith.constant 0 : i32
      %dma_start3A_14 = tpu.memref_slice %arg4[%multiple_of3A_7, %dma_start3A_13] : memref<8192x16xf32, #tpu.memory_space<hbm>> -> memref<256x16xf32, #tpu.memory_space<hbm>>
      %dma_start3A_15 = arith.constant 0 : i32
      %dma_start3A_16 = tpu.memref_slice %arg4[%multiple_of3A_7, %dma_start3A_15] : memref<8192x16xf32, #tpu.memory_space<hbm>> -> memref<256x16xf32, #tpu.memory_space<hbm>>
      tpu.enqueue_dma source(%arg6 : memref<256x16xf32, #tpu.memory_space<vmem>>) target(%dma_start3A_16 : memref<256x16xf32, #tpu.memory_space<hbm>>) target_semaphore(%run_scoped3A : memref<!tpu.dma_semaphore, #tpu.memory_space<semaphore_mem>>)
      %dma_wait3A_17 = arith.constant 0 : i32
      %dma_wait3A_18 = tpu.memref_slice %arg4[%multiple_of3A_7, %dma_wait3A_17] : memref<8192x16xf32, #tpu.memory_space<hbm>> -> memref<256x16xf32, #tpu.memory_space<hbm>>
      %dma_wait3A_19 = arith.constant 0 : i32
      %dma_wait3A_20 = tpu.memref_slice %arg4[%multiple_of3A_7, %dma_wait3A_19] : memref<8192x16xf32, #tpu.memory_space<hbm>> -> memref<256x16xf32, #tpu.memory_space<hbm>>
      tpu.wait_dma2 semaphore(%run_scoped3A : memref<!tpu.dma_semaphore, #tpu.memory_space<semaphore_mem>>) src(%arg6 : memref<256x16xf32, #tpu.memory_space<vmem>>) dst(%dma_wait3A_20 : memref<256x16xf32, #tpu.memory_space<hbm>>)
      tpu.yield
    }) : () -> ()
    %scan3A_12 = arith.constant 1 : i32
    return
  }
}

#map = affine_map<(d0, d1) -> (0, 0)>
#map1 = affine_map<(d0, d1) -> (0)>
module attributes {stable_mosaic.version = 14 : i64} {
  func.func @gk(%arg0: i32, %arg1: i32, %arg2: memref<65536x16xf32, #tpu.memory_space<hbm>>, %arg3: memref<262144xi32, #tpu.memory_space<hbm>>, %arg4: memref<262144x16xf32, #tpu.memory_space<hbm>>, %arg5: memref<2048xi32, #tpu.memory_space<vmem>>, %arg6: memref<2048x16xf32, #tpu.memory_space<vmem>>, %arg7: memref<!tpu.dma_semaphore, #tpu.memory_space<semaphore_mem>>) attributes {dimension_semantics = [#tpu.dimension_semantics<core_parallel>, #tpu.dimension_semantics<subcore_parallel>], iteration_bounds = array<i64: 2, 16>, scalar_prefetch = 0 : i64, scratch_operands = 3 : i64, tpu.core_type = #tpu.core_type<sc_vector_subcore>, window_params = [{transform_indices = #map}, {transform_indices = #map1}, {transform_indices = #map}]} {
    %mul3A = arith.constant 2 : i32
    %mul3A_0 = arith.muli %arg1, %mul3A : i32
    %add3A = arith.addi %mul3A_0, %arg0 : i32
    %mul3A_1 = arith.constant 8192 : i32
    %mul3A_2 = arith.muli %add3A, %mul3A_1 : i32
    %multiple_of3A = tpu.assume_multiple %mul3A_2, 2048 : i32
    %scan3A = arith.constant 0 : i32
    %scan3A_3 = arith.constant 0 : i32
    %scan3A_4 = arith.constant 4 : i32
    %scan3A_5 = arith.addi %scan3A_3, %scan3A_4 : i32
    %scan3A_6 = arith.constant 1 : i32
    scf.for %scan3A_8 = %scan3A_3 to %scan3A_5 step %scan3A_6  : i32 {
      %mul3A_9 = arith.constant 2048 : i32
      %mul3A_10 = arith.muli %scan3A_8, %mul3A_9 : i32
      %add3A_11 = arith.addi %multiple_of3A, %mul3A_10 : i32
      %multiple_of3A_12 = tpu.assume_multiple %add3A_11, 2048 : i32
      "tpu.region"() ({
        %run_scoped3A = tpu.sem_alloc : memref<!tpu.dma_semaphore, #tpu.memory_space<semaphore_mem>>
        %dma_start3A_17 = tpu.memref_slice %arg3[%multiple_of3A_12] : memref<262144xi32, #tpu.memory_space<hbm>> -> memref<2048xi32, #tpu.memory_space<hbm>>
        %dma_start3A_18 = tpu.memref_slice %arg3[%multiple_of3A_12] : memref<262144xi32, #tpu.memory_space<hbm>> -> memref<2048xi32, #tpu.memory_space<hbm>>
        tpu.enqueue_dma source(%dma_start3A_18 : memref<2048xi32, #tpu.memory_space<hbm>>) target(%arg5 : memref<2048xi32, #tpu.memory_space<vmem>>) target_semaphore(%run_scoped3A : memref<!tpu.dma_semaphore, #tpu.memory_space<semaphore_mem>>)
        %dma_wait3A_19 = tpu.memref_slice %arg3[%multiple_of3A_12] : memref<262144xi32, #tpu.memory_space<hbm>> -> memref<2048xi32, #tpu.memory_space<hbm>>
        %dma_wait3A_20 = tpu.memref_slice %arg3[%multiple_of3A_12] : memref<262144xi32, #tpu.memory_space<hbm>> -> memref<2048xi32, #tpu.memory_space<hbm>>
        tpu.wait_dma2 semaphore(%run_scoped3A : memref<!tpu.dma_semaphore, #tpu.memory_space<semaphore_mem>>) src(%dma_wait3A_20 : memref<2048xi32, #tpu.memory_space<hbm>>) dst(%arg5 : memref<2048xi32, #tpu.memory_space<vmem>>)
        tpu.yield
      }) : () -> ()
      %dma_start3A = arith.constant 0 : i32
      %dma_start3A_13 = arith.constant 0 : i32
      %dma_start3A_14 = tpu.memref_slice %arg2[%dma_start3A, %dma_start3A_13] : memref<65536x16xf32, #tpu.memory_space<hbm>> -> memref<65536x16xf32, #tpu.memory_space<hbm>>
      tpu.enqueue_indirect_dma source(%dma_start3A_14 : memref<65536x16xf32, #tpu.memory_space<hbm>>) target(%arg6 : memref<2048x16xf32, #tpu.memory_space<vmem>>) offsets(%arg5 : memref<2048xi32, #tpu.memory_space<vmem>>) semaphore(%arg7 : memref<!tpu.dma_semaphore, #tpu.memory_space<semaphore_mem>>)
      %dma_wait3A = arith.constant 0 : i32
      %dma_wait3A_15 = arith.constant 0 : i32
      %dma_wait3A_16 = tpu.memref_slice %arg2[%dma_wait3A, %dma_wait3A_15] : memref<65536x16xf32, #tpu.memory_space<hbm>> -> memref<65536x16xf32, #tpu.memory_space<hbm>>
      tpu.wait_indirect_dma semaphore(%arg7 : memref<!tpu.dma_semaphore, #tpu.memory_space<semaphore_mem>>) src(%dma_wait3A_16 : memref<65536x16xf32, #tpu.memory_space<hbm>>) dst(%arg6 : memref<2048x16xf32, #tpu.memory_space<vmem>>)
      "tpu.region"() ({
        %run_scoped3A = tpu.sem_alloc : memref<!tpu.dma_semaphore, #tpu.memory_space<semaphore_mem>>
        %dma_start3A_17 = arith.constant 0 : i32
        %dma_start3A_18 = tpu.memref_slice %arg4[%multiple_of3A_12, %dma_start3A_17] : memref<262144x16xf32, #tpu.memory_space<hbm>> -> memref<2048x16xf32, #tpu.memory_space<hbm>>
        %dma_start3A_19 = arith.constant 0 : i32
        %dma_start3A_20 = tpu.memref_slice %arg4[%multiple_of3A_12, %dma_start3A_19] : memref<262144x16xf32, #tpu.memory_space<hbm>> -> memref<2048x16xf32, #tpu.memory_space<hbm>>
        tpu.enqueue_dma source(%arg6 : memref<2048x16xf32, #tpu.memory_space<vmem>>) target(%dma_start3A_20 : memref<2048x16xf32, #tpu.memory_space<hbm>>) target_semaphore(%run_scoped3A : memref<!tpu.dma_semaphore, #tpu.memory_space<semaphore_mem>>)
        %dma_wait3A_21 = arith.constant 0 : i32
        %dma_wait3A_22 = tpu.memref_slice %arg4[%multiple_of3A_12, %dma_wait3A_21] : memref<262144x16xf32, #tpu.memory_space<hbm>> -> memref<2048x16xf32, #tpu.memory_space<hbm>>
        %dma_wait3A_23 = arith.constant 0 : i32
        %dma_wait3A_24 = tpu.memref_slice %arg4[%multiple_of3A_12, %dma_wait3A_23] : memref<262144x16xf32, #tpu.memory_space<hbm>> -> memref<2048x16xf32, #tpu.memory_space<hbm>>
        tpu.wait_dma2 semaphore(%run_scoped3A : memref<!tpu.dma_semaphore, #tpu.memory_space<semaphore_mem>>) src(%arg6 : memref<2048x16xf32, #tpu.memory_space<vmem>>) dst(%dma_wait3A_24 : memref<2048x16xf32, #tpu.memory_space<hbm>>)
        tpu.yield
      }) : () -> ()
    }
    %scan3A_7 = arith.constant 4 : i32
    return
  }
}

#map = affine_map<(d0, d1) -> (0, 0)>
#map1 = affine_map<(d0, d1) -> (0)>
module attributes {stable_mosaic.version = 14 : i64} {
  func.func @gk(%arg0: i32, %arg1: i32, %arg2: memref<8192x144xf32, #tpu.memory_space<hbm>>, %arg3: memref<2048xi32, #tpu.memory_space<hbm>>, %arg4: memref<2048x144xf32, #tpu.memory_space<hbm>>, %arg5: memref<64xi32, #tpu.memory_space<vmem>>, %arg6: memref<64x144xf32, #tpu.memory_space<vmem>>, %arg7: memref<!tpu.dma_semaphore, #tpu.memory_space<semaphore_mem>>) attributes {dimension_semantics = [#tpu.dimension_semantics<core_parallel>, #tpu.dimension_semantics<subcore_parallel>], iteration_bounds = array<i64: 2, 16>, scalar_prefetch = 0 : i64, scratch_operands = 3 : i64, tpu.core_type = #tpu.core_type<sc_vector_subcore>, window_params = [{transform_indices = #map}, {transform_indices = #map1}, {transform_indices = #map}]} {
    %mul3A = arith.constant 2 : i32
    %mul3A_0 = arith.muli %arg1, %mul3A : i32
    %add3A = arith.addi %mul3A_0, %arg0 : i32
    %mul3A_1 = arith.constant 64 : i32
    %mul3A_2 = arith.muli %add3A, %mul3A_1 : i32
    %multiple_of3A = tpu.assume_multiple %mul3A_2, 64 : i32
    %scan3A = arith.constant 0 : i32
    %scan3A_3 = arith.constant 0 : i32
    %mul3A_4 = arith.constant 64 : i32
    %mul3A_5 = arith.muli %scan3A_3, %mul3A_4 : i32
    %add3A_6 = arith.addi %multiple_of3A, %mul3A_5 : i32
    %multiple_of3A_7 = tpu.assume_multiple %add3A_6, 64 : i32
    "tpu.region"() ({
      %run_scoped3A = tpu.sem_alloc : memref<!tpu.dma_semaphore, #tpu.memory_space<semaphore_mem>>
      %dma_start3A_13 = tpu.memref_slice %arg3[%multiple_of3A_7] : memref<2048xi32, #tpu.memory_space<hbm>> -> memref<64xi32, #tpu.memory_space<hbm>>
      %dma_start3A_14 = tpu.memref_slice %arg3[%multiple_of3A_7] : memref<2048xi32, #tpu.memory_space<hbm>> -> memref<64xi32, #tpu.memory_space<hbm>>
      tpu.enqueue_dma source(%dma_start3A_14 : memref<64xi32, #tpu.memory_space<hbm>>) target(%arg5 : memref<64xi32, #tpu.memory_space<vmem>>) target_semaphore(%run_scoped3A : memref<!tpu.dma_semaphore, #tpu.memory_space<semaphore_mem>>)
      %dma_wait3A_15 = tpu.memref_slice %arg3[%multiple_of3A_7] : memref<2048xi32, #tpu.memory_space<hbm>> -> memref<64xi32, #tpu.memory_space<hbm>>
      %dma_wait3A_16 = tpu.memref_slice %arg3[%multiple_of3A_7] : memref<2048xi32, #tpu.memory_space<hbm>> -> memref<64xi32, #tpu.memory_space<hbm>>
      tpu.wait_dma2 semaphore(%run_scoped3A : memref<!tpu.dma_semaphore, #tpu.memory_space<semaphore_mem>>) src(%dma_wait3A_16 : memref<64xi32, #tpu.memory_space<hbm>>) dst(%arg5 : memref<64xi32, #tpu.memory_space<vmem>>)
      tpu.yield
    }) : () -> ()
    %dma_start3A = arith.constant 0 : i32
    %dma_start3A_8 = arith.constant 0 : i32
    %dma_start3A_9 = tpu.memref_slice %arg2[%dma_start3A, %dma_start3A_8] : memref<8192x144xf32, #tpu.memory_space<hbm>> -> memref<8192x144xf32, #tpu.memory_space<hbm>>
    tpu.enqueue_indirect_dma source(%dma_start3A_9 : memref<8192x144xf32, #tpu.memory_space<hbm>>) target(%arg6 : memref<64x144xf32, #tpu.memory_space<vmem>>) offsets(%arg5 : memref<64xi32, #tpu.memory_space<vmem>>) semaphore(%arg7 : memref<!tpu.dma_semaphore, #tpu.memory_space<semaphore_mem>>)
    %dma_wait3A = arith.constant 0 : i32
    %dma_wait3A_10 = arith.constant 0 : i32
    %dma_wait3A_11 = tpu.memref_slice %arg2[%dma_wait3A, %dma_wait3A_10] : memref<8192x144xf32, #tpu.memory_space<hbm>> -> memref<8192x144xf32, #tpu.memory_space<hbm>>
    tpu.wait_indirect_dma semaphore(%arg7 : memref<!tpu.dma_semaphore, #tpu.memory_space<semaphore_mem>>) src(%dma_wait3A_11 : memref<8192x144xf32, #tpu.memory_space<hbm>>) dst(%arg6 : memref<64x144xf32, #tpu.memory_space<vmem>>)
    "tpu.region"() ({
      %run_scoped3A = tpu.sem_alloc : memref<!tpu.dma_semaphore, #tpu.memory_space<semaphore_mem>>
      %dma_start3A_13 = arith.constant 0 : i32
      %dma_start3A_14 = tpu.memref_slice %arg4[%multiple_of3A_7, %dma_start3A_13] : memref<2048x144xf32, #tpu.memory_space<hbm>> -> memref<64x144xf32, #tpu.memory_space<hbm>>
      %dma_start3A_15 = arith.constant 0 : i32
      %dma_start3A_16 = tpu.memref_slice %arg4[%multiple_of3A_7, %dma_start3A_15] : memref<2048x144xf32, #tpu.memory_space<hbm>> -> memref<64x144xf32, #tpu.memory_space<hbm>>
      tpu.enqueue_dma source(%arg6 : memref<64x144xf32, #tpu.memory_space<vmem>>) target(%dma_start3A_16 : memref<64x144xf32, #tpu.memory_space<hbm>>) target_semaphore(%run_scoped3A : memref<!tpu.dma_semaphore, #tpu.memory_space<semaphore_mem>>)
      %dma_wait3A_17 = arith.constant 0 : i32
      %dma_wait3A_18 = tpu.memref_slice %arg4[%multiple_of3A_7, %dma_wait3A_17] : memref<2048x144xf32, #tpu.memory_space<hbm>> -> memref<64x144xf32, #tpu.memory_space<hbm>>
      %dma_wait3A_19 = arith.constant 0 : i32
      %dma_wait3A_20 = tpu.memref_slice %arg4[%multiple_of3A_7, %dma_wait3A_19] : memref<2048x144xf32, #tpu.memory_space<hbm>> -> memref<64x144xf32, #tpu.memory_space<hbm>>
      tpu.wait_dma2 semaphore(%run_scoped3A : memref<!tpu.dma_semaphore, #tpu.memory_space<semaphore_mem>>) src(%arg6 : memref<64x144xf32, #tpu.memory_space<vmem>>) dst(%dma_wait3A_20 : memref<64x144xf32, #tpu.memory_space<hbm>>)
      tpu.yield
    }) : () -> ()
    %scan3A_12 = arith.constant 1 : i32
    return
  }
}

#map = affine_map<(d0, d1) -> (0, 0)>
#map1 = affine_map<(d0, d1) -> (0)>
module attributes {stable_mosaic.version = 14 : i64} {
  func.func @gk(%arg0: i32, %arg1: i32, %arg2: memref<8192x144xf32, #tpu.memory_space<hbm>>, %arg3: memref<131072xi32, #tpu.memory_space<hbm>>, %arg4: memref<131072x144xf32, #tpu.memory_space<hbm>>, %arg5: memref<512xi32, #tpu.memory_space<vmem>>, %arg6: memref<512x144xf32, #tpu.memory_space<vmem>>, %arg7: memref<!tpu.dma_semaphore, #tpu.memory_space<semaphore_mem>>) attributes {dimension_semantics = [#tpu.dimension_semantics<core_parallel>, #tpu.dimension_semantics<subcore_parallel>], iteration_bounds = array<i64: 2, 16>, scalar_prefetch = 0 : i64, scratch_operands = 3 : i64, tpu.core_type = #tpu.core_type<sc_vector_subcore>, window_params = [{transform_indices = #map}, {transform_indices = #map1}, {transform_indices = #map}]} {
    %mul3A = arith.constant 2 : i32
    %mul3A_0 = arith.muli %arg1, %mul3A : i32
    %add3A = arith.addi %mul3A_0, %arg0 : i32
    %mul3A_1 = arith.constant 4096 : i32
    %mul3A_2 = arith.muli %add3A, %mul3A_1 : i32
    %multiple_of3A = tpu.assume_multiple %mul3A_2, 512 : i32
    %scan3A = arith.constant 0 : i32
    %scan3A_3 = arith.constant 0 : i32
    %scan3A_4 = arith.constant 8 : i32
    %scan3A_5 = arith.addi %scan3A_3, %scan3A_4 : i32
    %scan3A_6 = arith.constant 1 : i32
    scf.for %scan3A_8 = %scan3A_3 to %scan3A_5 step %scan3A_6  : i32 {
      %mul3A_9 = arith.constant 512 : i32
      %mul3A_10 = arith.muli %scan3A_8, %mul3A_9 : i32
      %add3A_11 = arith.addi %multiple_of3A, %mul3A_10 : i32
      %multiple_of3A_12 = tpu.assume_multiple %add3A_11, 512 : i32
      "tpu.region"() ({
        %run_scoped3A = tpu.sem_alloc : memref<!tpu.dma_semaphore, #tpu.memory_space<semaphore_mem>>
        %dma_start3A_17 = tpu.memref_slice %arg3[%multiple_of3A_12] : memref<131072xi32, #tpu.memory_space<hbm>> -> memref<512xi32, #tpu.memory_space<hbm>>
        %dma_start3A_18 = tpu.memref_slice %arg3[%multiple_of3A_12] : memref<131072xi32, #tpu.memory_space<hbm>> -> memref<512xi32, #tpu.memory_space<hbm>>
        tpu.enqueue_dma source(%dma_start3A_18 : memref<512xi32, #tpu.memory_space<hbm>>) target(%arg5 : memref<512xi32, #tpu.memory_space<vmem>>) target_semaphore(%run_scoped3A : memref<!tpu.dma_semaphore, #tpu.memory_space<semaphore_mem>>)
        %dma_wait3A_19 = tpu.memref_slice %arg3[%multiple_of3A_12] : memref<131072xi32, #tpu.memory_space<hbm>> -> memref<512xi32, #tpu.memory_space<hbm>>
        %dma_wait3A_20 = tpu.memref_slice %arg3[%multiple_of3A_12] : memref<131072xi32, #tpu.memory_space<hbm>> -> memref<512xi32, #tpu.memory_space<hbm>>
        tpu.wait_dma2 semaphore(%run_scoped3A : memref<!tpu.dma_semaphore, #tpu.memory_space<semaphore_mem>>) src(%dma_wait3A_20 : memref<512xi32, #tpu.memory_space<hbm>>) dst(%arg5 : memref<512xi32, #tpu.memory_space<vmem>>)
        tpu.yield
      }) : () -> ()
      %dma_start3A = arith.constant 0 : i32
      %dma_start3A_13 = arith.constant 0 : i32
      %dma_start3A_14 = tpu.memref_slice %arg2[%dma_start3A, %dma_start3A_13] : memref<8192x144xf32, #tpu.memory_space<hbm>> -> memref<8192x144xf32, #tpu.memory_space<hbm>>
      tpu.enqueue_indirect_dma source(%dma_start3A_14 : memref<8192x144xf32, #tpu.memory_space<hbm>>) target(%arg6 : memref<512x144xf32, #tpu.memory_space<vmem>>) offsets(%arg5 : memref<512xi32, #tpu.memory_space<vmem>>) semaphore(%arg7 : memref<!tpu.dma_semaphore, #tpu.memory_space<semaphore_mem>>)
      %dma_wait3A = arith.constant 0 : i32
      %dma_wait3A_15 = arith.constant 0 : i32
      %dma_wait3A_16 = tpu.memref_slice %arg2[%dma_wait3A, %dma_wait3A_15] : memref<8192x144xf32, #tpu.memory_space<hbm>> -> memref<8192x144xf32, #tpu.memory_space<hbm>>
      tpu.wait_indirect_dma semaphore(%arg7 : memref<!tpu.dma_semaphore, #tpu.memory_space<semaphore_mem>>) src(%dma_wait3A_16 : memref<8192x144xf32, #tpu.memory_space<hbm>>) dst(%arg6 : memref<512x144xf32, #tpu.memory_space<vmem>>)
      "tpu.region"() ({
        %run_scoped3A = tpu.sem_alloc : memref<!tpu.dma_semaphore, #tpu.memory_space<semaphore_mem>>
        %dma_start3A_17 = arith.constant 0 : i32
        %dma_start3A_18 = tpu.memref_slice %arg4[%multiple_of3A_12, %dma_start3A_17] : memref<131072x144xf32, #tpu.memory_space<hbm>> -> memref<512x144xf32, #tpu.memory_space<hbm>>
        %dma_start3A_19 = arith.constant 0 : i32
        %dma_start3A_20 = tpu.memref_slice %arg4[%multiple_of3A_12, %dma_start3A_19] : memref<131072x144xf32, #tpu.memory_space<hbm>> -> memref<512x144xf32, #tpu.memory_space<hbm>>
        tpu.enqueue_dma source(%arg6 : memref<512x144xf32, #tpu.memory_space<vmem>>) target(%dma_start3A_20 : memref<512x144xf32, #tpu.memory_space<hbm>>) target_semaphore(%run_scoped3A : memref<!tpu.dma_semaphore, #tpu.memory_space<semaphore_mem>>)
        %dma_wait3A_21 = arith.constant 0 : i32
        %dma_wait3A_22 = tpu.memref_slice %arg4[%multiple_of3A_12, %dma_wait3A_21] : memref<131072x144xf32, #tpu.memory_space<hbm>> -> memref<512x144xf32, #tpu.memory_space<hbm>>
        %dma_wait3A_23 = arith.constant 0 : i32
        %dma_wait3A_24 = tpu.memref_slice %arg4[%multiple_of3A_12, %dma_wait3A_23] : memref<131072x144xf32, #tpu.memory_space<hbm>> -> memref<512x144xf32, #tpu.memory_space<hbm>>
        tpu.wait_dma2 semaphore(%run_scoped3A : memref<!tpu.dma_semaphore, #tpu.memory_space<semaphore_mem>>) src(%arg6 : memref<512x144xf32, #tpu.memory_space<vmem>>) dst(%dma_wait3A_24 : memref<512x144xf32, #tpu.memory_space<hbm>>)
        tpu.yield
      }) : () -> ()
    }
    %scan3A_7 = arith.constant 8 : i32
    return
  }
}

module attributes {stable_mosaic.version = 14 : i64} {
  func.func @_fps_body(%arg0: memref<4096x16xf32, #tpu.memory_space<vmem>>, %arg1: memref<4096x16xf32, #tpu.memory_space<vmem>>, %arg2: memref<4096x16xf32, #tpu.memory_space<vmem>>, %arg3: memref<512x16xi32, #tpu.memory_space<vmem>>) attributes {dimension_semantics = [], scalar_prefetch = 0 : i64, scratch_operands = 0 : i64, tpu.core_type = #tpu.core_type<tc>} {
    %get3A = arith.constant 0 : index
    %get3A_0 = arith.constant 0 : index
    %get3A_1 = vector.load %arg0[%get3A, %get3A_0] : memref<4096x16xf32, #tpu.memory_space<vmem>>, vector<4096x16xf32>
    %get3A_2 = arith.constant 0 : index
    %get3A_3 = arith.constant 0 : index
    %get3A_4 = vector.load %arg1[%get3A_2, %get3A_3] : memref<4096x16xf32, #tpu.memory_space<vmem>>, vector<4096x16xf32>
    %get3A_5 = arith.constant 0 : index
    %get3A_6 = arith.constant 0 : index
    %get3A_7 = vector.load %arg2[%get3A_5, %get3A_6] : memref<4096x16xf32, #tpu.memory_space<vmem>>, vector<4096x16xf32>
    %iota3A = tpu.iota {dimensions = array<i32: 0>} : vector<4096x16xi32>
    %mul3A = arith.constant 0.000000e+00 : f32
    %mul3A_8 = vector.broadcast %mul3A : f32 to vector<4096x16xf32>
    %mul3A_9 = arith.mulf %get3A_1, %mul3A_8 : vector<4096x16xf32>
    %add3A = arith.constant 1.000000e+10 : f32
    %add3A_10 = vector.broadcast %add3A : f32 to vector<4096x16xf32>
    %add3A_11 = arith.addf %mul3A_9, %add3A_10 : vector<4096x16xf32>
    %broadcast_in_dim3A = arith.constant 0 : i32
    %broadcast_in_dim3A_12 = vector.broadcast %broadcast_in_dim3A : i32 to vector<1x16xi32>
    %scan3A = arith.constant 0 : i32
    %scan3A_13 = arith.constant 512 : i32
    %scan3A_14 = arith.addi %scan3A, %scan3A_13 : i32
    %scan3A_15 = arith.constant 1 : i32
    %scan3A_16:2 = scf.for %scan3A_18 = %scan3A to %scan3A_14 step %scan3A_15 iter_args(%scan3A_19 = %add3A_11, %scan3A_20 = %broadcast_in_dim3A_12) -> (vector<4096x16xf32>, vector<1x16xi32>)  : i32 {
      %swap3A = arith.index_cast %scan3A_18 : i32 to index
      %swap3A_21 = arith.constant 0 : index
      %swap3A_22 = vector.load %arg3[%swap3A, %swap3A_21] : memref<512x16xi32, #tpu.memory_space<vmem>>, vector<1x16xi32>
      tpu.vector_store %arg3[%swap3A, %swap3A_21], %scan3A_20 {strides = array<i32>} : memref<512x16xi32, #tpu.memory_space<vmem>>, vector<1x16xi32>,
      %eq3A = vector.broadcast %scan3A_20 : vector<1x16xi32> to vector<4096x16xi32>
      %eq3A_23 = arith.cmpi eq, %iota3A, %eq3A : vector<4096x16xi32>
      %convert_element_type3A = arith.extui %eq3A_23 : vector<4096x16xi1> to vector<4096x16xi32>
      %convert_element_type3A_24 = arith.sitofp %convert_element_type3A : vector<4096x16xi32> to vector<4096x16xf32>
      %mul3A_25 = arith.mulf %get3A_1, %convert_element_type3A_24 : vector<4096x16xf32>
      %reduce_sum3A = arith.constant dense<0.000000e+00> : vector<16xf32>
      %reduce_sum3A_26 = vector.multi_reduction <add>, %mul3A_25, %reduce_sum3A [0] : vector<4096x16xf32> to vector<16xf32>
      %broadcast_in_dim3A_27 = vector.shape_cast %reduce_sum3A_26 : vector<16xf32> to vector<1x16xf32>
      %mul3A_28 = arith.mulf %get3A_4, %convert_element_type3A_24 : vector<4096x16xf32>
      %reduce_sum3A_29 = arith.constant dense<0.000000e+00> : vector<16xf32>
      %reduce_sum3A_30 = vector.multi_reduction <add>, %mul3A_28, %reduce_sum3A_29 [0] : vector<4096x16xf32> to vector<16xf32>
      %broadcast_in_dim3A_31 = vector.shape_cast %reduce_sum3A_30 : vector<16xf32> to vector<1x16xf32>
      %mul3A_32 = arith.mulf %get3A_7, %convert_element_type3A_24 : vector<4096x16xf32>
      %reduce_sum3A_33 = arith.constant dense<0.000000e+00> : vector<16xf32>
      %reduce_sum3A_34 = vector.multi_reduction <add>, %mul3A_32, %reduce_sum3A_33 [0] : vector<4096x16xf32> to vector<16xf32>
      %broadcast_in_dim3A_35 = vector.shape_cast %reduce_sum3A_34 : vector<16xf32> to vector<1x16xf32>
      %sub3A = vector.broadcast %broadcast_in_dim3A_27 : vector<1x16xf32> to vector<4096x16xf32>
      %sub3A_36 = arith.subf %get3A_1, %sub3A : vector<4096x16xf32>
      %sub3A_37 = vector.broadcast %broadcast_in_dim3A_31 : vector<1x16xf32> to vector<4096x16xf32>
      %sub3A_38 = arith.subf %get3A_4, %sub3A_37 : vector<4096x16xf32>
      %sub3A_39 = vector.broadcast %broadcast_in_dim3A_35 : vector<1x16xf32> to vector<4096x16xf32>
      %sub3A_40 = arith.subf %get3A_7, %sub3A_39 : vector<4096x16xf32>
      %mul3A_41 = arith.mulf %sub3A_36, %sub3A_36 : vector<4096x16xf32>
      %mul3A_42 = arith.mulf %sub3A_38, %sub3A_38 : vector<4096x16xf32>
      %add3A_43 = arith.addf %mul3A_41, %mul3A_42 : vector<4096x16xf32>
      %mul3A_44 = arith.mulf %sub3A_40, %sub3A_40 : vector<4096x16xf32>
      %add3A_45 = arith.addf %add3A_43, %mul3A_44 : vector<4096x16xf32>
      %min3A = arith.minimumf %scan3A_19, %add3A_45 : vector<4096x16xf32>
      %reduce_max3A = arith.constant dense<0xFF800000> : vector<16xf32>
      %reduce_max3A_46 = vector.multi_reduction <maximumf>, %min3A, %reduce_max3A [0] : vector<4096x16xf32> to vector<16xf32>
      %broadcast_in_dim3A_47 = vector.shape_cast %reduce_max3A_46 : vector<16xf32> to vector<1x16xf32>
      %eq3A_48 = vector.broadcast %broadcast_in_dim3A_47 : vector<1x16xf32> to vector<4096x16xf32>
      %eq3A_49 = arith.cmpf oeq, %min3A, %eq3A_48 : vector<4096x16xf32>
      %convert_element_type3A_50 = arith.extui %eq3A_49 : vector<4096x16xi1> to vector<4096x16xi32>
      %mul3A_51 = arith.muli %iota3A, %convert_element_type3A_50 : vector<4096x16xi32>
      %sub3A_52 = arith.constant 1 : i32
      %sub3A_53 = vector.broadcast %sub3A_52 : i32 to vector<4096x16xi32>
      %sub3A_54 = arith.subi %sub3A_53, %convert_element_type3A_50 : vector<4096x16xi32>
      %mul3A_55 = arith.constant 4096 : i32
      %mul3A_56 = vector.broadcast %mul3A_55 : i32 to vector<4096x16xi32>
      %mul3A_57 = arith.muli %mul3A_56, %sub3A_54 : vector<4096x16xi32>
      %add3A_58 = arith.addi %mul3A_51, %mul3A_57 : vector<4096x16xi32>
      %reduce_min3A = arith.constant dense<2147483647> : vector<16xi32>
      %reduce_min3A_59 = vector.multi_reduction <minsi>, %add3A_58, %reduce_min3A [0] : vector<4096x16xi32> to vector<16xi32>
      %broadcast_in_dim3A_60 = vector.shape_cast %reduce_min3A_59 : vector<16xi32> to vector<1x16xi32>
      scf.yield %min3A, %broadcast_in_dim3A_60 : vector<4096x16xf32>, vector<1x16xi32>
    }
    %scan3A_17 = arith.constant 512 : i32
    return
  }
}

module attributes {stable_mosaic.version = 14 : i64} {
  func.func @_fps_body(%arg0: memref<512x16xf32, #tpu.memory_space<vmem>>, %arg1: memref<512x16xf32, #tpu.memory_space<vmem>>, %arg2: memref<512x16xf32, #tpu.memory_space<vmem>>, %arg3: memref<128x16xi32, #tpu.memory_space<vmem>>) attributes {dimension_semantics = [], scalar_prefetch = 0 : i64, scratch_operands = 0 : i64, tpu.core_type = #tpu.core_type<tc>} {
    %get3A = arith.constant 0 : index
    %get3A_0 = arith.constant 0 : index
    %get3A_1 = vector.load %arg0[%get3A, %get3A_0] : memref<512x16xf32, #tpu.memory_space<vmem>>, vector<512x16xf32>
    %get3A_2 = arith.constant 0 : index
    %get3A_3 = arith.constant 0 : index
    %get3A_4 = vector.load %arg1[%get3A_2, %get3A_3] : memref<512x16xf32, #tpu.memory_space<vmem>>, vector<512x16xf32>
    %get3A_5 = arith.constant 0 : index
    %get3A_6 = arith.constant 0 : index
    %get3A_7 = vector.load %arg2[%get3A_5, %get3A_6] : memref<512x16xf32, #tpu.memory_space<vmem>>, vector<512x16xf32>
    %iota3A = tpu.iota {dimensions = array<i32: 0>} : vector<512x16xi32>
    %mul3A = arith.constant 0.000000e+00 : f32
    %mul3A_8 = vector.broadcast %mul3A : f32 to vector<512x16xf32>
    %mul3A_9 = arith.mulf %get3A_1, %mul3A_8 : vector<512x16xf32>
    %add3A = arith.constant 1.000000e+10 : f32
    %add3A_10 = vector.broadcast %add3A : f32 to vector<512x16xf32>
    %add3A_11 = arith.addf %mul3A_9, %add3A_10 : vector<512x16xf32>
    %broadcast_in_dim3A = arith.constant 0 : i32
    %broadcast_in_dim3A_12 = vector.broadcast %broadcast_in_dim3A : i32 to vector<1x16xi32>
    %scan3A = arith.constant 0 : i32
    %scan3A_13 = arith.constant 128 : i32
    %scan3A_14 = arith.addi %scan3A, %scan3A_13 : i32
    %scan3A_15 = arith.constant 1 : i32
    %scan3A_16:2 = scf.for %scan3A_18 = %scan3A to %scan3A_14 step %scan3A_15 iter_args(%scan3A_19 = %add3A_11, %scan3A_20 = %broadcast_in_dim3A_12) -> (vector<512x16xf32>, vector<1x16xi32>)  : i32 {
      %swap3A = arith.index_cast %scan3A_18 : i32 to index
      %swap3A_21 = arith.constant 0 : index
      %swap3A_22 = vector.load %arg3[%swap3A, %swap3A_21] : memref<128x16xi32, #tpu.memory_space<vmem>>, vector<1x16xi32>
      tpu.vector_store %arg3[%swap3A, %swap3A_21], %scan3A_20 {strides = array<i32>} : memref<128x16xi32, #tpu.memory_space<vmem>>, vector<1x16xi32>,
      %eq3A = vector.broadcast %scan3A_20 : vector<1x16xi32> to vector<512x16xi32>
      %eq3A_23 = arith.cmpi eq, %iota3A, %eq3A : vector<512x16xi32>
      %convert_element_type3A = arith.extui %eq3A_23 : vector<512x16xi1> to vector<512x16xi32>
      %convert_element_type3A_24 = arith.sitofp %convert_element_type3A : vector<512x16xi32> to vector<512x16xf32>
      %mul3A_25 = arith.mulf %get3A_1, %convert_element_type3A_24 : vector<512x16xf32>
      %reduce_sum3A = arith.constant dense<0.000000e+00> : vector<16xf32>
      %reduce_sum3A_26 = vector.multi_reduction <add>, %mul3A_25, %reduce_sum3A [0] : vector<512x16xf32> to vector<16xf32>
      %broadcast_in_dim3A_27 = vector.shape_cast %reduce_sum3A_26 : vector<16xf32> to vector<1x16xf32>
      %mul3A_28 = arith.mulf %get3A_4, %convert_element_type3A_24 : vector<512x16xf32>
      %reduce_sum3A_29 = arith.constant dense<0.000000e+00> : vector<16xf32>
      %reduce_sum3A_30 = vector.multi_reduction <add>, %mul3A_28, %reduce_sum3A_29 [0] : vector<512x16xf32> to vector<16xf32>
      %broadcast_in_dim3A_31 = vector.shape_cast %reduce_sum3A_30 : vector<16xf32> to vector<1x16xf32>
      %mul3A_32 = arith.mulf %get3A_7, %convert_element_type3A_24 : vector<512x16xf32>
      %reduce_sum3A_33 = arith.constant dense<0.000000e+00> : vector<16xf32>
      %reduce_sum3A_34 = vector.multi_reduction <add>, %mul3A_32, %reduce_sum3A_33 [0] : vector<512x16xf32> to vector<16xf32>
      %broadcast_in_dim3A_35 = vector.shape_cast %reduce_sum3A_34 : vector<16xf32> to vector<1x16xf32>
      %sub3A = vector.broadcast %broadcast_in_dim3A_27 : vector<1x16xf32> to vector<512x16xf32>
      %sub3A_36 = arith.subf %get3A_1, %sub3A : vector<512x16xf32>
      %sub3A_37 = vector.broadcast %broadcast_in_dim3A_31 : vector<1x16xf32> to vector<512x16xf32>
      %sub3A_38 = arith.subf %get3A_4, %sub3A_37 : vector<512x16xf32>
      %sub3A_39 = vector.broadcast %broadcast_in_dim3A_35 : vector<1x16xf32> to vector<512x16xf32>
      %sub3A_40 = arith.subf %get3A_7, %sub3A_39 : vector<512x16xf32>
      %mul3A_41 = arith.mulf %sub3A_36, %sub3A_36 : vector<512x16xf32>
      %mul3A_42 = arith.mulf %sub3A_38, %sub3A_38 : vector<512x16xf32>
      %add3A_43 = arith.addf %mul3A_41, %mul3A_42 : vector<512x16xf32>
      %mul3A_44 = arith.mulf %sub3A_40, %sub3A_40 : vector<512x16xf32>
      %add3A_45 = arith.addf %add3A_43, %mul3A_44 : vector<512x16xf32>
      %min3A = arith.minimumf %scan3A_19, %add3A_45 : vector<512x16xf32>
      %reduce_max3A = arith.constant dense<0xFF800000> : vector<16xf32>
      %reduce_max3A_46 = vector.multi_reduction <maximumf>, %min3A, %reduce_max3A [0] : vector<512x16xf32> to vector<16xf32>
      %broadcast_in_dim3A_47 = vector.shape_cast %reduce_max3A_46 : vector<16xf32> to vector<1x16xf32>
      %eq3A_48 = vector.broadcast %broadcast_in_dim3A_47 : vector<1x16xf32> to vector<512x16xf32>
      %eq3A_49 = arith.cmpf oeq, %min3A, %eq3A_48 : vector<512x16xf32>
      %convert_element_type3A_50 = arith.extui %eq3A_49 : vector<512x16xi1> to vector<512x16xi32>
      %mul3A_51 = arith.muli %iota3A, %convert_element_type3A_50 : vector<512x16xi32>
      %sub3A_52 = arith.constant 1 : i32
      %sub3A_53 = vector.broadcast %sub3A_52 : i32 to vector<512x16xi32>
      %sub3A_54 = arith.subi %sub3A_53, %convert_element_type3A_50 : vector<512x16xi32>
      %mul3A_55 = arith.constant 512 : i32
      %mul3A_56 = vector.broadcast %mul3A_55 : i32 to vector<512x16xi32>
      %mul3A_57 = arith.muli %mul3A_56, %sub3A_54 : vector<512x16xi32>
      %add3A_58 = arith.addi %mul3A_51, %mul3A_57 : vector<512x16xi32>
      %reduce_min3A = arith.constant dense<2147483647> : vector<16xi32>
      %reduce_min3A_59 = vector.multi_reduction <minsi>, %add3A_58, %reduce_min3A [0] : vector<512x16xi32> to vector<16xi32>
      %broadcast_in_dim3A_60 = vector.shape_cast %reduce_min3A_59 : vector<16xi32> to vector<1x16xi32>
      scf.yield %min3A, %broadcast_in_dim3A_60 : vector<512x16xf32>, vector<1x16xi32>
    }
    %scan3A_17 = arith.constant 128 : i32
    return
  }
}

module attributes {stable_mosaic.version = 14 : i64} {
  func.func @_mlp_maxpool_body(%arg0: i32, %arg1: memref<2048x8xf32, #tpu.memory_space<vmem>>, %arg2: memref<8x64xf32, #tpu.memory_space<vmem>>, %arg3: memref<64xf32, #tpu.memory_space<vmem>>, %arg4: memref<64x64xf32, #tpu.memory_space<vmem>>, %arg5: memref<64xf32, #tpu.memory_space<vmem>>, %arg6: memref<64x128xf32, #tpu.memory_space<vmem>>, %arg7: memref<128xf32, #tpu.memory_space<vmem>>, %arg8: memref<64x128xf32, #tpu.memory_space<vmem>>) attributes {dimension_semantics = [#tpu.dimension_semantics<arbitrary>], iteration_bounds = array<i64: 128>, scalar_prefetch = 0 : i64, scratch_operands = 0 : i64, tpu.core_type = #tpu.core_type<tc>, window_params = [{transform_indices = @transform_0, window_bounds = array<i64: 2048, 8>}, {pipeline_mode = #tpu.pipeline_mode<synchronous>, transform_indices = @transform_1, window_bounds = array<i64: 8, 64>}, {pipeline_mode = #tpu.pipeline_mode<synchronous>, transform_indices = @transform_2, window_bounds = array<i64: 64>}, {pipeline_mode = #tpu.pipeline_mode<synchronous>, transform_indices = @transform_3, window_bounds = array<i64: 64, 64>}, {pipeline_mode = #tpu.pipeline_mode<synchronous>, transform_indices = @transform_4, window_bounds = array<i64: 64>}, {pipeline_mode = #tpu.pipeline_mode<synchronous>, transform_indices = @transform_5, window_bounds = array<i64: 64, 128>}, {pipeline_mode = #tpu.pipeline_mode<synchronous>, transform_indices = @transform_6, window_bounds = array<i64: 128>}, {transform_indices = @transform_7, window_bounds = array<i64: 64, 128>}]} {
    %get3A = arith.constant 0 : index
    %get3A_0 = arith.constant 0 : index
    %get3A_1 = vector.load %arg1[%get3A, %get3A_0] : memref<2048x8xf32, #tpu.memory_space<vmem>>, vector<2048x8xf32>
    %get3A_2 = arith.constant 0 : index
    %get3A_3 = arith.constant 0 : index
    %get3A_4 = vector.load %arg2[%get3A_2, %get3A_3] : memref<8x64xf32, #tpu.memory_space<vmem>>, vector<8x64xf32>
    %get3A_5 = arith.constant 0 : index
    %get3A_6 = vector.load %arg3[%get3A_5] : memref<64xf32, #tpu.memory_space<vmem>>, vector<64xf32>
    %convert_element_type3A = arith.truncf %get3A_1 : vector<2048x8xf32> to vector<2048x8xbf16>
    %convert_element_type3A_7 = arith.truncf %get3A_4 : vector<8x64xf32> to vector<8x64xbf16>
    %dot_general3A = arith.constant dense<0.000000e+00> : vector<2048x64xf32>
    %dot_general3A_8 = tpu.matmul %convert_element_type3A, %convert_element_type3A_7, %dot_general3A {dimension_numbers = #tpu.dot_dimension_numbers<[1], [0], [0], [1], [0, 0, 1, 1], [], []>, transpose_lhs_hint = false} : vector<2048x8xbf16>, vector<8x64xbf16>, vector<2048x64xf32> -> vector<2048x64xf32>
    %broadcast_in_dim3A = vector.shape_cast %get3A_6 : vector<64xf32> to vector<1x64xf32>
    %add3A = vector.broadcast %broadcast_in_dim3A : vector<1x64xf32> to vector<2048x64xf32>
    %add3A_9 = arith.addf %dot_general3A_8, %add3A : vector<2048x64xf32>
    %max3A = arith.constant 0.000000e+00 : f32
    %max3A_10 = vector.broadcast %max3A : f32 to vector<2048x64xf32>
    %max3A_11 = arith.maximumf %add3A_9, %max3A_10 : vector<2048x64xf32>
    %get3A_12 = arith.constant 0 : index
    %get3A_13 = arith.constant 0 : index
    %get3A_14 = vector.load %arg4[%get3A_12, %get3A_13] : memref<64x64xf32, #tpu.memory_space<vmem>>, vector<64x64xf32>
    %get3A_15 = arith.constant 0 : index
    %get3A_16 = vector.load %arg5[%get3A_15] : memref<64xf32, #tpu.memory_space<vmem>>, vector<64xf32>
    %convert_element_type3A_17 = arith.truncf %max3A_11 : vector<2048x64xf32> to vector<2048x64xbf16>
    %convert_element_type3A_18 = arith.truncf %get3A_14 : vector<64x64xf32> to vector<64x64xbf16>
    %dot_general3A_19 = arith.constant dense<0.000000e+00> : vector<2048x64xf32>
    %dot_general3A_20 = tpu.matmul %convert_element_type3A_17, %convert_element_type3A_18, %dot_general3A_19 {dimension_numbers = #tpu.dot_dimension_numbers<[1], [0], [0], [1], [0, 0, 1, 1], [], []>, transpose_lhs_hint = false} : vector<2048x64xbf16>, vector<64x64xbf16>, vector<2048x64xf32> -> vector<2048x64xf32>
    %broadcast_in_dim3A_21 = vector.shape_cast %get3A_16 : vector<64xf32> to vector<1x64xf32>
    %add3A_22 = vector.broadcast %broadcast_in_dim3A_21 : vector<1x64xf32> to vector<2048x64xf32>
    %add3A_23 = arith.addf %dot_general3A_20, %add3A_22 : vector<2048x64xf32>
    %max3A_24 = arith.constant 0.000000e+00 : f32
    %max3A_25 = vector.broadcast %max3A_24 : f32 to vector<2048x64xf32>
    %max3A_26 = arith.maximumf %add3A_23, %max3A_25 : vector<2048x64xf32>
    %get3A_27 = arith.constant 0 : index
    %get3A_28 = arith.constant 0 : index
    %get3A_29 = vector.load %arg6[%get3A_27, %get3A_28] : memref<64x128xf32, #tpu.memory_space<vmem>>, vector<64x128xf32>
    %get3A_30 = arith.constant 0 : index
    %get3A_31 = vector.load %arg7[%get3A_30] : memref<128xf32, #tpu.memory_space<vmem>>, vector<128xf32>
    %convert_element_type3A_32 = arith.truncf %max3A_26 : vector<2048x64xf32> to vector<2048x64xbf16>
    %convert_element_type3A_33 = arith.truncf %get3A_29 : vector<64x128xf32> to vector<64x128xbf16>
    %dot_general3A_34 = arith.constant dense<0.000000e+00> : vector<2048x128xf32>
    %dot_general3A_35 = tpu.matmul %convert_element_type3A_32, %convert_element_type3A_33, %dot_general3A_34 {dimension_numbers = #tpu.dot_dimension_numbers<[1], [0], [0], [1], [0, 0, 1, 1], [], []>, transpose_lhs_hint = false} : vector<2048x64xbf16>, vector<64x128xbf16>, vector<2048x128xf32> -> vector<2048x128xf32>
    %broadcast_in_dim3A_36 = vector.shape_cast %get3A_31 : vector<128xf32> to vector<1x128xf32>
    %add3A_37 = vector.broadcast %broadcast_in_dim3A_36 : vector<1x128xf32> to vector<2048x128xf32>
    %add3A_38 = arith.addf %dot_general3A_35, %add3A_37 : vector<2048x128xf32>
    %max3A_39 = arith.constant 0.000000e+00 : f32
    %max3A_40 = vector.broadcast %max3A_39 : f32 to vector<2048x128xf32>
    %max3A_41 = arith.maximumf %add3A_38, %max3A_40 : vector<2048x128xf32>
    %reshape3A = vector.shape_cast %max3A_41 : vector<2048x128xf32> to vector<64x32x128xf32>
    %reduce_max3A = arith.constant dense<0xFF800000> : vector<64x128xf32>
    %reduce_max3A_42 = vector.multi_reduction <maximumf>, %reshape3A, %reduce_max3A [1] : vector<64x32x128xf32> to vector<64x128xf32>
    %swap3A = arith.constant 0 : index
    %swap3A_43 = arith.constant 0 : index
    %swap3A_44 = vector.load %arg8[%swap3A, %swap3A_43] : memref<64x128xf32, #tpu.memory_space<vmem>>, vector<64x128xf32>
    tpu.vector_store %arg8[%swap3A, %swap3A_43], %reduce_max3A_42 {strides = array<i32>} : memref<64x128xf32, #tpu.memory_space<vmem>>, vector<64x128xf32>,
    return
  }
  func.func @transform_0(%arg0: i32) -> (i32, i32) {
    %c0_i32 = arith.constant 0 : i32
    %c0_i32_0 = arith.constant 0 : i32
    return %arg0, %c0_i32 : i32, i32
  }
  func.func @transform_1(%arg0: i32) -> (i32, i32) {
    %c0_i32 = arith.constant 0 : i32
    %c0_i32_0 = arith.constant 0 : i32
    %c0_i32_1 = arith.constant 0 : i32
    return %c0_i32, %c0_i32_0 : i32, i32
  }
  func.func @transform_2(%arg0: i32) -> i32 {
    %c0_i32 = arith.constant 0 : i32
    %c0_i32_0 = arith.constant 0 : i32
    return %c0_i32 : i32
  }
  func.func @transform_3(%arg0: i32) -> (i32, i32) {
    %c0_i32 = arith.constant 0 : i32
    %c0_i32_0 = arith.constant 0 : i32
    %c0_i32_1 = arith.constant 0 : i32
    return %c0_i32, %c0_i32_0 : i32, i32
  }
  func.func @transform_4(%arg0: i32) -> i32 {
    %c0_i32 = arith.constant 0 : i32
    %c0_i32_0 = arith.constant 0 : i32
    return %c0_i32 : i32
  }
  func.func @transform_5(%arg0: i32) -> (i32, i32) {
    %c0_i32 = arith.constant 0 : i32
    %c0_i32_0 = arith.constant 0 : i32
    %c0_i32_1 = arith.constant 0 : i32
    return %c0_i32, %c0_i32_0 : i32, i32
  }
  func.func @transform_6(%arg0: i32) -> i32 {
    %c0_i32 = arith.constant 0 : i32
    %c0_i32_0 = arith.constant 0 : i32
    return %c0_i32 : i32
  }
  func.func @transform_7(%arg0: i32) -> (i32, i32) {
    %c0_i32 = arith.constant 0 : i32
    %c0_i32_0 = arith.constant 0 : i32
    return %arg0, %c0_i32 : i32, i32
  }
}

module attributes {stable_mosaic.version = 14 : i64} {
  func.func @_mlp_maxpool_body(%arg0: i32, %arg1: memref<1024x131xf32, #tpu.memory_space<vmem>>, %arg2: memref<131x128xf32, #tpu.memory_space<vmem>>, %arg3: memref<128xf32, #tpu.memory_space<vmem>>, %arg4: memref<128x128xf32, #tpu.memory_space<vmem>>, %arg5: memref<128xf32, #tpu.memory_space<vmem>>, %arg6: memref<128x256xf32, #tpu.memory_space<vmem>>, %arg7: memref<256xf32, #tpu.memory_space<vmem>>, %arg8: memref<16x256xf32, #tpu.memory_space<vmem>>) attributes {dimension_semantics = [#tpu.dimension_semantics<arbitrary>], iteration_bounds = array<i64: 128>, scalar_prefetch = 0 : i64, scratch_operands = 0 : i64, tpu.core_type = #tpu.core_type<tc>, window_params = [{transform_indices = @transform_0, window_bounds = array<i64: 1024, 131>}, {pipeline_mode = #tpu.pipeline_mode<synchronous>, transform_indices = @transform_1, window_bounds = array<i64: 131, 128>}, {pipeline_mode = #tpu.pipeline_mode<synchronous>, transform_indices = @transform_2, window_bounds = array<i64: 128>}, {pipeline_mode = #tpu.pipeline_mode<synchronous>, transform_indices = @transform_3, window_bounds = array<i64: 128, 128>}, {pipeline_mode = #tpu.pipeline_mode<synchronous>, transform_indices = @transform_4, window_bounds = array<i64: 128>}, {pipeline_mode = #tpu.pipeline_mode<synchronous>, transform_indices = @transform_5, window_bounds = array<i64: 128, 256>}, {pipeline_mode = #tpu.pipeline_mode<synchronous>, transform_indices = @transform_6, window_bounds = array<i64: 256>}, {transform_indices = @transform_7, window_bounds = array<i64: 16, 256>}]} {
    %get3A = arith.constant 0 : index
    %get3A_0 = arith.constant 0 : index
    %get3A_1 = vector.load %arg1[%get3A, %get3A_0] : memref<1024x131xf32, #tpu.memory_space<vmem>>, vector<1024x131xf32>
    %get3A_2 = arith.constant 0 : index
    %get3A_3 = arith.constant 0 : index
    %get3A_4 = vector.load %arg2[%get3A_2, %get3A_3] : memref<131x128xf32, #tpu.memory_space<vmem>>, vector<131x128xf32>
    %get3A_5 = arith.constant 0 : index
    %get3A_6 = vector.load %arg3[%get3A_5] : memref<128xf32, #tpu.memory_space<vmem>>, vector<128xf32>
    %convert_element_type3A = arith.truncf %get3A_1 : vector<1024x131xf32> to vector<1024x131xbf16>
    %convert_element_type3A_7 = arith.truncf %get3A_4 : vector<131x128xf32> to vector<131x128xbf16>
    %dot_general3A = arith.constant dense<0.000000e+00> : vector<1024x128xf32>
    %dot_general3A_8 = tpu.matmul %convert_element_type3A, %convert_element_type3A_7, %dot_general3A {dimension_numbers = #tpu.dot_dimension_numbers<[1], [0], [0], [1], [0, 0, 1, 1], [], []>, transpose_lhs_hint = false} : vector<1024x131xbf16>, vector<131x128xbf16>, vector<1024x128xf32> -> vector<1024x128xf32>
    %broadcast_in_dim3A = vector.shape_cast %get3A_6 : vector<128xf32> to vector<1x128xf32>
    %add3A = vector.broadcast %broadcast_in_dim3A : vector<1x128xf32> to vector<1024x128xf32>
    %add3A_9 = arith.addf %dot_general3A_8, %add3A : vector<1024x128xf32>
    %max3A = arith.constant 0.000000e+00 : f32
    %max3A_10 = vector.broadcast %max3A : f32 to vector<1024x128xf32>
    %max3A_11 = arith.maximumf %add3A_9, %max3A_10 : vector<1024x128xf32>
    %get3A_12 = arith.constant 0 : index
    %get3A_13 = arith.constant 0 : index
    %get3A_14 = vector.load %arg4[%get3A_12, %get3A_13] : memref<128x128xf32, #tpu.memory_space<vmem>>, vector<128x128xf32>
    %get3A_15 = arith.constant 0 : index
    %get3A_16 = vector.load %arg5[%get3A_15] : memref<128xf32, #tpu.memory_space<vmem>>, vector<128xf32>
    %convert_element_type3A_17 = arith.truncf %max3A_11 : vector<1024x128xf32> to vector<1024x128xbf16>
    %convert_element_type3A_18 = arith.truncf %get3A_14 : vector<128x128xf32> to vector<128x128xbf16>
    %dot_general3A_19 = arith.constant dense<0.000000e+00> : vector<1024x128xf32>
    %dot_general3A_20 = tpu.matmul %convert_element_type3A_17, %convert_element_type3A_18, %dot_general3A_19 {dimension_numbers = #tpu.dot_dimension_numbers<[1], [0], [0], [1], [0, 0, 1, 1], [], []>, transpose_lhs_hint = false} : vector<1024x128xbf16>, vector<128x128xbf16>, vector<1024x128xf32> -> vector<1024x128xf32>
    %broadcast_in_dim3A_21 = vector.shape_cast %get3A_16 : vector<128xf32> to vector<1x128xf32>
    %add3A_22 = vector.broadcast %broadcast_in_dim3A_21 : vector<1x128xf32> to vector<1024x128xf32>
    %add3A_23 = arith.addf %dot_general3A_20, %add3A_22 : vector<1024x128xf32>
    %max3A_24 = arith.constant 0.000000e+00 : f32
    %max3A_25 = vector.broadcast %max3A_24 : f32 to vector<1024x128xf32>
    %max3A_26 = arith.maximumf %add3A_23, %max3A_25 : vector<1024x128xf32>
    %get3A_27 = arith.constant 0 : index
    %get3A_28 = arith.constant 0 : index
    %get3A_29 = vector.load %arg6[%get3A_27, %get3A_28] : memref<128x256xf32, #tpu.memory_space<vmem>>, vector<128x256xf32>
    %get3A_30 = arith.constant 0 : index
    %get3A_31 = vector.load %arg7[%get3A_30] : memref<256xf32, #tpu.memory_space<vmem>>, vector<256xf32>
    %convert_element_type3A_32 = arith.truncf %max3A_26 : vector<1024x128xf32> to vector<1024x128xbf16>
    %convert_element_type3A_33 = arith.truncf %get3A_29 : vector<128x256xf32> to vector<128x256xbf16>
    %dot_general3A_34 = arith.constant dense<0.000000e+00> : vector<1024x256xf32>
    %dot_general3A_35 = tpu.matmul %convert_element_type3A_32, %convert_element_type3A_33, %dot_general3A_34 {dimension_numbers = #tpu.dot_dimension_numbers<[1], [0], [0], [1], [0, 0, 1, 1], [], []>, transpose_lhs_hint = false} : vector<1024x128xbf16>, vector<128x256xbf16>, vector<1024x256xf32> -> vector<1024x256xf32>
    %broadcast_in_dim3A_36 = vector.shape_cast %get3A_31 : vector<256xf32> to vector<1x256xf32>
    %add3A_37 = vector.broadcast %broadcast_in_dim3A_36 : vector<1x256xf32> to vector<1024x256xf32>
    %add3A_38 = arith.addf %dot_general3A_35, %add3A_37 : vector<1024x256xf32>
    %max3A_39 = arith.constant 0.000000e+00 : f32
    %max3A_40 = vector.broadcast %max3A_39 : f32 to vector<1024x256xf32>
    %max3A_41 = arith.maximumf %add3A_38, %max3A_40 : vector<1024x256xf32>
    %reshape3A = vector.shape_cast %max3A_41 : vector<1024x256xf32> to vector<16x64x256xf32>
    %reduce_max3A = arith.constant dense<0xFF800000> : vector<16x256xf32>
    %reduce_max3A_42 = vector.multi_reduction <maximumf>, %reshape3A, %reduce_max3A [1] : vector<16x64x256xf32> to vector<16x256xf32>
    %swap3A = arith.constant 0 : index
    %swap3A_43 = arith.constant 0 : index
    %swap3A_44 = vector.load %arg8[%swap3A, %swap3A_43] : memref<16x256xf32, #tpu.memory_space<vmem>>, vector<16x256xf32>
    tpu.vector_store %arg8[%swap3A, %swap3A_43], %reduce_max3A_42 {strides = array<i32>} : memref<16x256xf32, #tpu.memory_space<vmem>>, vector<16x256xf32>,
    return
  }
  func.func @transform_0(%arg0: i32) -> (i32, i32) {
    %c0_i32 = arith.constant 0 : i32
    %c0_i32_0 = arith.constant 0 : i32
    return %arg0, %c0_i32 : i32, i32
  }
  func.func @transform_1(%arg0: i32) -> (i32, i32) {
    %c0_i32 = arith.constant 0 : i32
    %c0_i32_0 = arith.constant 0 : i32
    %c0_i32_1 = arith.constant 0 : i32
    return %c0_i32, %c0_i32_0 : i32, i32
  }
  func.func @transform_2(%arg0: i32) -> i32 {
    %c0_i32 = arith.constant 0 : i32
    %c0_i32_0 = arith.constant 0 : i32
    return %c0_i32 : i32
  }
  func.func @transform_3(%arg0: i32) -> (i32, i32) {
    %c0_i32 = arith.constant 0 : i32
    %c0_i32_0 = arith.constant 0 : i32
    %c0_i32_1 = arith.constant 0 : i32
    return %c0_i32, %c0_i32_0 : i32, i32
  }
  func.func @transform_4(%arg0: i32) -> i32 {
    %c0_i32 = arith.constant 0 : i32
    %c0_i32_0 = arith.constant 0 : i32
    return %c0_i32 : i32
  }
  func.func @transform_5(%arg0: i32) -> (i32, i32) {
    %c0_i32 = arith.constant 0 : i32
    %c0_i32_0 = arith.constant 0 : i32
    %c0_i32_1 = arith.constant 0 : i32
    return %c0_i32, %c0_i32_0 : i32, i32
  }
  func.func @transform_6(%arg0: i32) -> i32 {
    %c0_i32 = arith.constant 0 : i32
    %c0_i32_0 = arith.constant 0 : i32
    return %c0_i32 : i32
  }
  func.func @transform_7(%arg0: i32) -> (i32, i32) {
    %c0_i32 = arith.constant 0 : i32
    %c0_i32_0 = arith.constant 0 : i32
    return %arg0, %c0_i32 : i32, i32
  }
}

module attributes {stable_mosaic.version = 14 : i64} {
  func.func @_mlp_maxpool_body(%arg0: i32, %arg1: memref<2048x259xf32, #tpu.memory_space<vmem>>, %arg2: memref<259x256xf32, #tpu.memory_space<vmem>>, %arg3: memref<256xf32, #tpu.memory_space<vmem>>, %arg4: memref<256x512xf32, #tpu.memory_space<vmem>>, %arg5: memref<512xf32, #tpu.memory_space<vmem>>, %arg6: memref<512x1024xf32, #tpu.memory_space<vmem>>, %arg7: memref<1024xf32, #tpu.memory_space<vmem>>, %arg8: memref<16x1024xf32, #tpu.memory_space<vmem>>) attributes {dimension_semantics = [#tpu.dimension_semantics<arbitrary>], iteration_bounds = array<i64: 1>, scalar_prefetch = 0 : i64, scratch_operands = 0 : i64, tpu.core_type = #tpu.core_type<tc>, window_params = [{transform_indices = @transform_0, window_bounds = array<i64: 2048, 259>}, {pipeline_mode = #tpu.pipeline_mode<synchronous>, transform_indices = @transform_1, window_bounds = array<i64: 259, 256>}, {pipeline_mode = #tpu.pipeline_mode<synchronous>, transform_indices = @transform_2, window_bounds = array<i64: 256>}, {pipeline_mode = #tpu.pipeline_mode<synchronous>, transform_indices = @transform_3, window_bounds = array<i64: 256, 512>}, {pipeline_mode = #tpu.pipeline_mode<synchronous>, transform_indices = @transform_4, window_bounds = array<i64: 512>}, {pipeline_mode = #tpu.pipeline_mode<synchronous>, transform_indices = @transform_5, window_bounds = array<i64: 512, 1024>}, {pipeline_mode = #tpu.pipeline_mode<synchronous>, transform_indices = @transform_6, window_bounds = array<i64: 1024>}, {transform_indices = @transform_7, window_bounds = array<i64: 16, 1024>}]} {
    %get3A = arith.constant 0 : index
    %get3A_0 = arith.constant 0 : index
    %get3A_1 = vector.load %arg1[%get3A, %get3A_0] : memref<2048x259xf32, #tpu.memory_space<vmem>>, vector<2048x259xf32>
    %get3A_2 = arith.constant 0 : index
    %get3A_3 = arith.constant 0 : index
    %get3A_4 = vector.load %arg2[%get3A_2, %get3A_3] : memref<259x256xf32, #tpu.memory_space<vmem>>, vector<259x256xf32>
    %get3A_5 = arith.constant 0 : index
    %get3A_6 = vector.load %arg3[%get3A_5] : memref<256xf32, #tpu.memory_space<vmem>>, vector<256xf32>
    %convert_element_type3A = arith.truncf %get3A_1 : vector<2048x259xf32> to vector<2048x259xbf16>
    %convert_element_type3A_7 = arith.truncf %get3A_4 : vector<259x256xf32> to vector<259x256xbf16>
    %dot_general3A = arith.constant dense<0.000000e+00> : vector<2048x256xf32>
    %dot_general3A_8 = tpu.matmul %convert_element_type3A, %convert_element_type3A_7, %dot_general3A {dimension_numbers = #tpu.dot_dimension_numbers<[1], [0], [0], [1], [0, 0, 1, 1], [], []>, transpose_lhs_hint = false} : vector<2048x259xbf16>, vector<259x256xbf16>, vector<2048x256xf32> -> vector<2048x256xf32>
    %broadcast_in_dim3A = vector.shape_cast %get3A_6 : vector<256xf32> to vector<1x256xf32>
    %add3A = vector.broadcast %broadcast_in_dim3A : vector<1x256xf32> to vector<2048x256xf32>
    %add3A_9 = arith.addf %dot_general3A_8, %add3A : vector<2048x256xf32>
    %max3A = arith.constant 0.000000e+00 : f32
    %max3A_10 = vector.broadcast %max3A : f32 to vector<2048x256xf32>
    %max3A_11 = arith.maximumf %add3A_9, %max3A_10 : vector<2048x256xf32>
    %get3A_12 = arith.constant 0 : index
    %get3A_13 = arith.constant 0 : index
    %get3A_14 = vector.load %arg4[%get3A_12, %get3A_13] : memref<256x512xf32, #tpu.memory_space<vmem>>, vector<256x512xf32>
    %get3A_15 = arith.constant 0 : index
    %get3A_16 = vector.load %arg5[%get3A_15] : memref<512xf32, #tpu.memory_space<vmem>>, vector<512xf32>
    %convert_element_type3A_17 = arith.truncf %max3A_11 : vector<2048x256xf32> to vector<2048x256xbf16>
    %convert_element_type3A_18 = arith.truncf %get3A_14 : vector<256x512xf32> to vector<256x512xbf16>
    %dot_general3A_19 = arith.constant dense<0.000000e+00> : vector<2048x512xf32>
    %dot_general3A_20 = tpu.matmul %convert_element_type3A_17, %convert_element_type3A_18, %dot_general3A_19 {dimension_numbers = #tpu.dot_dimension_numbers<[1], [0], [0], [1], [0, 0, 1, 1], [], []>, transpose_lhs_hint = false} : vector<2048x256xbf16>, vector<256x512xbf16>, vector<2048x512xf32> -> vector<2048x512xf32>
    %broadcast_in_dim3A_21 = vector.shape_cast %get3A_16 : vector<512xf32> to vector<1x512xf32>
    %add3A_22 = vector.broadcast %broadcast_in_dim3A_21 : vector<1x512xf32> to vector<2048x512xf32>
    %add3A_23 = arith.addf %dot_general3A_20, %add3A_22 : vector<2048x512xf32>
    %max3A_24 = arith.constant 0.000000e+00 : f32
    %max3A_25 = vector.broadcast %max3A_24 : f32 to vector<2048x512xf32>
    %max3A_26 = arith.maximumf %add3A_23, %max3A_25 : vector<2048x512xf32>
    %get3A_27 = arith.constant 0 : index
    %get3A_28 = arith.constant 0 : index
    %get3A_29 = vector.load %arg6[%get3A_27, %get3A_28] : memref<512x1024xf32, #tpu.memory_space<vmem>>, vector<512x1024xf32>
    %get3A_30 = arith.constant 0 : index
    %get3A_31 = vector.load %arg7[%get3A_30] : memref<1024xf32, #tpu.memory_space<vmem>>, vector<1024xf32>
    %convert_element_type3A_32 = arith.truncf %max3A_26 : vector<2048x512xf32> to vector<2048x512xbf16>
    %convert_element_type3A_33 = arith.truncf %get3A_29 : vector<512x1024xf32> to vector<512x1024xbf16>
    %dot_general3A_34 = arith.constant dense<0.000000e+00> : vector<2048x1024xf32>
    %dot_general3A_35 = tpu.matmul %convert_element_type3A_32, %convert_element_type3A_33, %dot_general3A_34 {dimension_numbers = #tpu.dot_dimension_numbers<[1], [0], [0], [1], [0, 0, 1, 1], [], []>, transpose_lhs_hint = false} : vector<2048x512xbf16>, vector<512x1024xbf16>, vector<2048x1024xf32> -> vector<2048x1024xf32>
    %broadcast_in_dim3A_36 = vector.shape_cast %get3A_31 : vector<1024xf32> to vector<1x1024xf32>
    %add3A_37 = vector.broadcast %broadcast_in_dim3A_36 : vector<1x1024xf32> to vector<2048x1024xf32>
    %add3A_38 = arith.addf %dot_general3A_35, %add3A_37 : vector<2048x1024xf32>
    %max3A_39 = arith.constant 0.000000e+00 : f32
    %max3A_40 = vector.broadcast %max3A_39 : f32 to vector<2048x1024xf32>
    %max3A_41 = arith.maximumf %add3A_38, %max3A_40 : vector<2048x1024xf32>
    %reshape3A = vector.shape_cast %max3A_41 : vector<2048x1024xf32> to vector<16x128x1024xf32>
    %reduce_max3A = arith.constant dense<0xFF800000> : vector<16x1024xf32>
    %reduce_max3A_42 = vector.multi_reduction <maximumf>, %reshape3A, %reduce_max3A [1] : vector<16x128x1024xf32> to vector<16x1024xf32>
    %swap3A = arith.constant 0 : index
    %swap3A_43 = arith.constant 0 : index
    %swap3A_44 = vector.load %arg8[%swap3A, %swap3A_43] : memref<16x1024xf32, #tpu.memory_space<vmem>>, vector<16x1024xf32>
    tpu.vector_store %arg8[%swap3A, %swap3A_43], %reduce_max3A_42 {strides = array<i32>} : memref<16x1024xf32, #tpu.memory_space<vmem>>, vector<16x1024xf32>,
    return
  }
  func.func @transform_0(%arg0: i32) -> (i32, i32) {
    %c0_i32 = arith.constant 0 : i32
    %c0_i32_0 = arith.constant 0 : i32
    return %arg0, %c0_i32 : i32, i32
  }
  func.func @transform_1(%arg0: i32) -> (i32, i32) {
    %c0_i32 = arith.constant 0 : i32
    %c0_i32_0 = arith.constant 0 : i32
    %c0_i32_1 = arith.constant 0 : i32
    return %c0_i32, %c0_i32_0 : i32, i32
  }
  func.func @transform_2(%arg0: i32) -> i32 {
    %c0_i32 = arith.constant 0 : i32
    %c0_i32_0 = arith.constant 0 : i32
    return %c0_i32 : i32
  }
  func.func @transform_3(%arg0: i32) -> (i32, i32) {
    %c0_i32 = arith.constant 0 : i32
    %c0_i32_0 = arith.constant 0 : i32
    %c0_i32_1 = arith.constant 0 : i32
    return %c0_i32, %c0_i32_0 : i32, i32
  }
  func.func @transform_4(%arg0: i32) -> i32 {
    %c0_i32 = arith.constant 0 : i32
    %c0_i32_0 = arith.constant 0 : i32
    return %c0_i32 : i32
  }
  func.func @transform_5(%arg0: i32) -> (i32, i32) {
    %c0_i32 = arith.constant 0 : i32
    %c0_i32_0 = arith.constant 0 : i32
    %c0_i32_1 = arith.constant 0 : i32
    return %c0_i32, %c0_i32_0 : i32, i32
  }
  func.func @transform_6(%arg0: i32) -> i32 {
    %c0_i32 = arith.constant 0 : i32
    %c0_i32_0 = arith.constant 0 : i32
    return %c0_i32 : i32
  }
  func.func @transform_7(%arg0: i32) -> (i32, i32) {
    %c0_i32 = arith.constant 0 : i32
    %c0_i32_0 = arith.constant 0 : i32
    return %arg0, %c0_i32 : i32, i32
  }
}

</mosaic_0001>

<sc_bundles>
// kernel: kernel.11.cloned.1.call-start
scs
__scs_entry_jumppad:
0x0: {  	(pc) =	sbr.rel $0x88, $3  }
0x1: {  	(tag) =	ssettag $0x0;
	lr =	simm.s32 $0x1  }
0x2: {  	[smem:$0x3F7B] =	sst lr;
	_ =	strace $0xD0000000  }
0x3: {  	_ = 	snop  }
0x4: {  	_ = 	snop  }
0x5: {  	_ = 	snop  }
0x6: {  	_ = 	snop  }
0x7: {  	_ = 	snop  }
__scs_overlays_trampoline_lowered:
0x8: {  	[smem:$0x3F8A] =	sst s0  }
0x9: {  	[smem:$0x3F8B] =	sst s1  }
0xa: {  	[smem:$0x3F8C] =	sst s2  }
0xb: {  	[smem:$0x3F8D] =	sst s3  }
0xc: {  	[smem:$0x3F8E] =	sst s4  }
0xd: {  	[smem:$0x3F8F] =	sst s5  }
0xe: {  	[smem:$0x3F90] =	sst s6  }
0xf: {  	[smem:$0x3F91] =	sst s7  }
0x10: {  	[smem:$0x3F92] =	sst s8  }
0x11: {  	[smem:$0x3F93] =	sst s9;
	s0 =	simm.s32 @!p0 $0x0  }
0x12: {  	s1 =	sld [smem:$0x3F79];
	s0 =	simm.s32 @p0 $0x1  }
0x13: {  	[smem:$0x3F94] =	sst s0;
	s0 =	simm.s32 @!p1 $0x0  }
0x14: {  	s2 =	sld [smem:$0x3F78];
	s0 =	simm.s32 @p1 $0x1  }
0x15: {  	[smem:$0x3F95] =	sst s0;
	s0 =	simm.s32 @!p2 $0x0  }
0x16: {  	s3 =	sld [smem:$0x3FDB];
	s0 =	simm.s32 @p2 $0x1  }
0x17: {  	s4 =	simm.s32 $0x1BF5;
	[smem:$0x3F97] =	sst s0  }
0x18: {  	s0 =	sld [smem:$0x3F7A];
	_ =	swait.ge [sflag:s4], $0x0  }
0x19: {  	s7 =	sld [smem:$0x3F7B]  }
0x1a: {  	s8 =	sadd.s32 $0xFFFFE003, lr  }
0x1b: {  	s9 =	sadd.s32 $0xFFFFFEF7, lr;
	s5 =	simm.s32 $0xFFFFFFFF;
	p2 =	slt.u32 s8, $0xFFFFF086  }
0x1c: {  	p1 =	slt.u32 s9, $0xF7A;
	s5 =	simm.s32 @!p2 $0x0  }
0x1d: {  	s5 =	simm.s32 @p1 $0x1;
	p0 =	seq.s32 s7, s2  }
0x1e: {  	s7 =	smul.u32 @!p0 $0xF7A, s2;
	p2 =	seq.s32 @!p0 s5, $0x0  }
0x1f: {  	s9 =	smul.u32 $0xF7A, s1;
	s8 =	simm.s32 @!p0 $0x1BF5;
	p2 =	por !p2, p0  }
0x20: {  	[sflag:s8] =	ssyncset.s32 @!p0 $0xFFFFF086;
	s6 =	sadd.s32 @!p0 s3, s7;
	s7 =	simm.s32 @!p0 $0x108  }
0x21: {  	s3 =	sadd.s32 s3, s9;
	s6 =	sadd.s32 @!p0 $0x88, s6;
	s7 =	simm.s32 @p2 $0x1082  }
0x22: {  	[simem:s7], [sflag:s8] =	dma.local @!p0 [hbm:s6], $0xF7A  }
0x23: {  	s9 =	sor.u32 $0xD0000000, s2;
	s6 =	simm.s32 $0x108;
	_ =	swait.ge @!p0 [sflag:s8], $0x0  }
0x24: {  	s3 =	sadd.s32 $0x88, s3;
	s6 =	simm.s32 @!p1 $0x1082;
	[sflag:s4] =	ssyncset.s32 $0xFFFFF086  }
0x25: {  	[simem:s6], [sflag:s4] =	dma.local [hbm:s3], $0xF7A  }
0x26: {  	[smem:$0x3F7B] =	sst s1;
	(tag) =	ssettag s2;
	_ =	strace s9  }
0x27: {  	s1 =	sld [smem:$0x3F8B]  }
0x28: {  	s2 =	sld [smem:$0x3F8C]  }
0x29: {  	s4 =	sld [smem:$0x3F8E]  }
0x2a: {  	p0 =	seq.s32 s5, $0x0;
	s5 =	sld [smem:$0x3F8F]  }
0x2b: {  	s6 =	sld [smem:$0x3F90]  }
0x2c: {  	s7 =	sld [smem:$0x3F91]  }
0x2d: {  	s3 =	simm.s32 $0x108;
	s8 =	sld [smem:$0x3F92]  }
0x2e: {  	s3 =	simm.s32 @!p0 $0x1082;
	s9 =	sld [smem:$0x3F93]  }
0x2f: {  	lr =	sadd.s32 s0, s3;
	s0 =	sld [smem:$0x3F8A]  }
0x30: {  	s3 =	sld [smem:$0x3F8D]  }
0x31: {  	[smem:$0x3F96] =	sst s10  }
0x32: {  	s10 =	sld [smem:$0x3F94];
	_ =	sdelay $0x3  }
0x33: {  	p0 =	seq.s32 s10, $0x1;
	s10 =	sld [smem:$0x3F96];
	_ =	sdelay $0x3  }
0x34: {  	[smem:$0x3F96] =	sst s10  }
0x35: {  	s10 =	sld [smem:$0x3F95];
	_ =	sdelay $0x3  }
0x36: {  	p1 =	seq.s32 s10, $0x1;
	s10 =	sld [smem:$0x3F96];
	_ =	sdelay $0x3  }
0x37: {  	[smem:$0x3F96] =	sst s10  }
0x38: {  	s10 =	sld [smem:$0x3F97]  }
0x39: {  	_ = 	snop;
	(pc) =	sbr.ind lr, $3  }
0x3a: {  	_ = 	snop  }
0x3b: {  	_ = 	snop  }
0x3c: {  	p2 =	seq.s32 s10, $0x1;
	s10 =	sld [smem:$0x3F96]  }
0x3d: {  	_ =	shalt  }
0x3e: {  	_ =	shalt  }
0x3f: {  	_ =	shalt  }
0x40: {  	_ =	shalt  }
0x41: {  	_ =	shalt  }
0x42: {  	_ =	shalt  }
0x43: {  	_ =	shalt  }
0x44: {  	_ =	shalt  }
0x45: {  	_ =	shalt  }
0x46: {  	_ =	shalt  }
0x47: {  	_ =	shalt  }
0x48: {  	_ =	shalt  }
0x49: {  	_ =	shalt  }
0x4a: {  	_ =	shalt  }
0x4b: {  	_ =	shalt  }
0x4c: {  	_ =	shalt  }
0x4d: {  	_ =	shalt  }
0x4e: {  	_ =	shalt  }
0x4f: {  	_ =	shalt  }
0x50: {  	_ =	shalt  }
0x51: {  	_ =	shalt  }
0x52: {  	_ =	shalt  }
0x53: {  	_ =	shalt  }
0x54: {  	_ =	shalt  }
0x55: {  	_ =	shalt  }
0x56: {  	_ =	shalt  }
0x57: {  	_ =	shalt  }
0x58: {  	_ =	shalt  }
0x59: {  	_ =	shalt  }
0x5a: {  	_ =	shalt  }
0x5b: {  	_ =	shalt  }
0x5c: {  	_ =	shalt  }
0x5d: {  	_ =	shalt  }
0x5e: {  	_ =	shalt  }
0x5f: {  	_ =	shalt  }
0x60: {  	_ =	shalt  }
0x61: {  	_ =	shalt  }
0x62: {  	_ =	shalt  }
0x63: {  	_ =	shalt  }
0x64: {  	_ =	shalt  }
0x65: {  	_ =	shalt  }
0x66: {  	_ =	shalt  }
0x67: {  	_ =	shalt  }
0x68: {  	_ =	shalt  }
0x69: {  	_ =	shalt  }
0x6a: {  	_ =	shalt  }
0x6b: {  	_ =	shalt  }
0x6c: {  	_ =	shalt  }
0x6d: {  	_ =	shalt  }
0x6e: {  	_ =	shalt  }
0x6f: {  	_ =	shalt  }
0x70: {  	_ =	shalt  }
0x71: {  	_ =	shalt  }
0x72: {  	_ =	shalt  }
0x73: {  	_ =	shalt  }
0x74: {  	_ =	shalt  }
0x75: {  	_ =	shalt  }
0x76: {  	_ =	shalt  }
0x77: {  	_ =	shalt  }
0x78: {  	_ =	shalt  }
0x79: {  	_ =	shalt  }
0x7a: {  	_ =	shalt  }
0x7b: {  	_ =	shalt  }
0x7c: {  	_ =	shalt  }
0x7d: {  	_ =	shalt  }
0x7e: {  	_ =	shalt  }
0x7f: {  	_ =	shalt  }
0x80: {  	_ =	shalt  }
0x81: {  	_ =	shalt  }
0x82: {  	_ =	shalt  }
0x83: {  	_ =	shalt  }
0x84: {  	_ =	shalt  }
0x85: {  	_ =	shalt  }
0x86: {  	_ =	shalt  }
0x87: {  	_ =	shalt  }
.Lfunc_end0:
.L_simem_size_0:
called_computation.1_lowered:
.L_overlay_start_0:
0x88: {  	s2 =	sld [smem:$0x3FD9]  }
0x89: {  	s3 =	sld [smem:$0x3FFE];
	_ =	sdelay $0x1  }
0x8a: {  	s1 =	srdreg.scid  }
0x8b: {  	s0 =	sand.u32 $0x1, s1  }
0x8c: {  	s17 =	sshll.u32 s0, $0xA;
	s2 =	sadd.s32 s3, s2  }
0x8d: {  	s2 =	sadd.s32 s2, s17  }
0x8e: {  	[smem:$0x3FA2] =	sst s2  }
0x8f: {  	_ = 	snop  }
0x90: {  	s2 =	sld [smem:$0x3FD0];
	(tm) =	ssettm $0x1  }
0x91: {  	s18 =	sld [smem:$0x3FFB];
	_ =	sdelay $0x3  }
0x92: {  	_ =	strace s18  }
0x93: {  	s3 =	sld [smem:$0x3FFC];
	_ =	sdelay $0x3  }
0x94: {  	_ =	strace s3  }
0x95: {  	s3 =	sld [smem:$0x3FFD];
	_ =	sdelay $0x3  }
0x96: {  	_ =	strace s3  }
0x97: {  	_ =	strace $0x8FFFFFFF  }
0x98: {  	s19 =	sld [smem:$0x3FDB];
	_ =	sdelay $0x1  }
0x99: {  	s4 =	simm.s32 $_scs_section_size  }
0x9a: {  	s5 =	simm.s32 $_size__tile_overlayer_lowered;
	s6 =	simm.s32 $_tile_overlayer_lowered  }
0x9b: {  	s22 =	simm.s32 $0x1BFF;
	s21 =	sshll.u32 s6, $0x1;
	s3 =	sadd.s32 s4, s19  }
0x9c: {  	s7 =	simm.s32 $0x0;
	s20 =	sshll.u32 s5, $0x1;
	s5 =	sadd.s32 s21, s3  }
0x9d: {  	[timem:s7], [sflag:s22] =	dma.local [hbm:s5], s20  }
0x9e: {  	_ =	swait.ge [sflag:s22], s20  }
0x9f: {  	s4 =	ssub.s32 $0x0, s20;
	[sflag:s22] =	ssyncset.done $0x0  }
0xa0: {  	[sflag:s22] =	ssyncadd.s32 s4;
	_ =	sdelay $0x1  }
0xa1: {  	s23 =	simm.s32 $0x1B8B  }
0xa2: {  	_ =	swait.ge [sflag:s23], $0x1  }
0xa3: {  	[sflag:s23] =	ssyncset.done $0x0  }
0xa4: {  	s25 =	simm.s32 $0x1B8E;
	s24 =	sld [smem:$0x3FFE];
	[sflag:s23] =	ssyncadd.s32 $0xFFFFFFFF  }
0xa5: {  	s26 =	simm.s32 $execute0_lowered;
	[smem:$0x3FD2] =	sst s25  }
0xa6: {  	s5 =	sshll.u32 s26, $0x1;
	_ =	strace $0x80000046;
	[dreg:$0x1] =	wrdreg $0xFFFFFFFF  }
0xa7: {  	s28 =	simm.s32 $_size_execute0_lowered;
	s3 =	sadd.s32 s3, s5;
	[dreg:$0x0] =	wrdreg $0x0  }
0xa8: {  	s5 =	sshll.u32 s28, $0x1;
	[dreg:$0x2] =	wrdreg s3  }
0xa9: {  	[dreg:$0x3] =	wrdreg s5  }
0xaa: {  	[dreg:$0x4] =	wrdreg $0xC0  }
0xab: {  	_ =	task [dreg:s7], $0x5FFFF  }
0xac: {  	[dreg:$0x1] =	wrdreg $0xFFFFFFFF  }
0xad: {  	[dreg:$0x0] =	wrdreg $0x60  }
0xae: {  	[dreg:$0x2] =	wrdreg s24  }
0xaf: {  	[dreg:$0x3] =	wrdreg s2  }
0xb0: {  	[dreg:$0x4] =	wrdreg $0x9  }
0xb1: {  	_ =	task.clear_ibuf [dreg:s7], $0x5FFFF;
	_ =	strace $0x90000046  }
0xb2: {  	s29 =	simm.s32 $0x9;
	_ =	strace $0x80000048  }
0xb3: {  	_ =	swait.ge [sflag:s29], $0x1  }
0xb4: {  	[sflag:s29] =	ssyncadd.s32 $0xFFFFFFFF  }
0xb5: {  	_ =	strace $0x90000048  }
0xb6: {  	_ =	sfence  }
0xb7: {  	s30 =	sld [smem:$0x0];
	_ =	sdelay $0x2  }
0xb8: {  	s31 =	sshll.u32 s1, $0xD;
	s1 =	sshrl.u32 s1, $0x2  }
0xb9: {  	s3 =	sand.u32 $0x4000, s31;
	s1 =	sadd.s32 s1, s30  }
0xba: {  	s0 =	sor.u32 s3, s0;
	s1 =	sshll.u32 s1, $0x11  }
0xbb: {  	s0 =	sor.u32 s1, s0  }
0xbc: {  	s0 =	sadd.s32 $0x8F2B, s0  }
0xbd: {  	[sflag:s0] =	ssyncadd.remote.s32 $0x1  }
0xbe: {  	_ =	sfence.sel $0xFFFF  }
0xbf: {  	[dreg:$0x0] =	wrdreg $0xFFFFFFFF;
	(pc) =	sbr.abs _section_cstart, $3  }
0xc0: {  	[dreg:$0x1] =	wrdreg $0xFFFFFFFF  }
0xc1: {  	_ =	task.clear_ibuf [dreg:s7], $0x2FFFF;
	_ =	strace $0x9FFFFFFF  }
0xc2: {  	(tm) =	ssettm $0x7FFFFFFF  }
0xc3: {  	_ =	shalt  }
tec
execute0_lowered:
.L_overlay_start_1:
0x0: {  	(tag) =	ssettag $0x1  }
0x1: {  	s1 =	srdreg.scid  }
0x2: {  	s8 =	rddreg [dreg:$0x0];
	s0 =	stileid.u32  }
0x3: {  	s3 =	rddreg [dreg:$0x1];
	s2 =	simm.s32 $0x0;
	s6 =	sand.u32 $0x1, s1  }
0x4: {  	s4 =	sshll.u32 s0, $0x9;
	s1 =	rddreg [dreg:$0x2];
	s5 =	sshll.u32 s6, $0x8  }
0x5: {  	s7 =	simm.s32 $0x1;
	[smem:$0x7FF] =	sst s2;
	s9 =	sor.u32 s5, s4  }
0x6: {  	_ =	strace $0x80000047;
	s10 =	ssub.s32 $0x2, s6;
	s4 =	sshrl.u32 s9, $0x3  }
0x7: {  	s6 =	simm.s32 $0x100;
	s4 =	sadd.s32 s3, s4;
	s3 =	simm.s32 $0x2  }
0x8: {  	[tilespmem:s2], [sflag:$0x2] =	stream.linear.gather [hbm4b:s4+s2], $0x100, $0x38;
	[tilespmem:$0x1100] =	vst v63  }
0x9: {  	s5 =	sadd.s32 $0x7A00, s8;
	s11 =	sshrl.u32 s10, $0x1;
	_ =	swait.ge [sflag:s3], $0x100  }
0xa: {  	s9 =	sshll.u32 s9, $0x1;
	s31 =	ssub.s32 s10, s11;
	[sflag:s3] =	ssyncset.done $0x0  }
0xb: {  	s8 =	sadd.s32 s9, s8;
	s9 =	smax.u32 s31, $0x1;
	[sflag:s3] =	ssyncadd.s32 $0xFFFFFF00  }
0xc: {  	[tilespmem:s6], [sflag:$0x1] =	stream.indirect.gather [hbm4b:s5+s6], $0x10, s2, s6, $0xb8;
	[tilespmem:$0x1100] =	vst v63  }
0xd: {  	p0 =	sne.s32 s9, $0x1;
	_ =	swait.ge [sflag:s7], $0x1000  }
.Ltmp0:
0xe: {  	[sflag:s7] =	ssyncset.done $0x0;
	(pc) =	sbr.rel @!p0 .LBB2_2-.Ltmp0, $4  }
0xf: {  	s8 =	sadd.s32 $0x27A00, s8;
	[sflag:s7] =	ssyncadd.s32 $0xFFFFF000  }
0x10: {  	[hbm4b:s8+s2] =	stream.linear.scatter [tilespmem:s6], [sflag:$0x2], $0x1000, $0x38;
	[tilespmem:$0x1100] =	vst v63  }
0x11: {  	_ =	swait.ge [sflag:s3], $0x1000  }
0x12: {  	s9 =	sadd.s32 $0xFFFFFFFF, s9;
	[sflag:s3] =	ssyncset.done $0x0  }
.LBB2_1:
0x13: {  	p0 =	sne.s32 s9, $0x1;
	s9 =	sadd.s32 $0xFFFFFFFF, s9;
	[sflag:s3] =	ssyncadd.s32 $0xFFFFF000  }
0x14: {  	[tilespmem:s2], [sflag:$0x2] =	stream.linear.gather [hbm4b:s4+s2], $0x100, $0x38;
	[tilespmem:$0x1100] =	vst v63  }
0x15: {  	_ =	swait.ge [sflag:s3], $0x100  }
0x16: {  	[sflag:s3] =	ssyncset.done $0x0  }
0x17: {  	[sflag:s3] =	ssyncadd.s32 $0xFFFFFF00  }
0x18: {  	[tilespmem:s6], [sflag:$0x1] =	stream.indirect.gather [hbm4b:s5+s6], $0x10, s2, s6, $0xb8;
	[tilespmem:$0x1100] =	vst v63  }
0x19: {  	_ =	swait.ge [sflag:s7], $0x1000  }
.Ltmp1:
0x1a: {  	[sflag:s7] =	ssyncset.done $0x0;
	(pc) =	sbr.rel @p0 .LBB2_1-.Ltmp1, $4  }
0x1b: {  	[sflag:s7] =	ssyncadd.s32 $0xFFFFF000  }
0x1c: {  	[hbm4b:s8+s2] =	stream.linear.scatter [tilespmem:s6], [sflag:$0x2], $0x1000, $0x38;
	[tilespmem:$0x1100] =	vst v63  }
0x1d: {  	_ =	swait.ge [sflag:s3], $0x1000  }
0x1e: {  	[sflag:s3] =	ssyncset.done $0x0  }
.LBB2_2:
0x1f: {  	[sflag:s3] =	ssyncadd.s32 $0xFFFFF000  }
0x20: {  	_ =	sfence.sel $0x180000  }
0x21: {  	[bflag:$0x0] =	sbarrier.arrive $0xFFFF  }
0x22: {  	p0 =	sne.s32 s0, $0x0;
	_ =	strace $0x90000047  }
0x23: {  	s0 =	sadd.s32 @!p0 $0x100000, s1;
	[bflag:$0x2] =	sbarrier.arrive $0xFFFF  }
0x24: {  	[sflag:s0] =	ssyncadd.tile.s32 @!p0 $0x1;
	_ =	shalt  }
.Lfunc_end2:
_tile_overlayer_lowered:
.L_overlay_start_2:
0x25: {  	(tag) =	ssettag $0x2  }
0x26: {  	s0 =	rddreg [dreg:$0x0];
	s2 =	stileid.u32  }
0x27: {  	s1 =	rddreg [dreg:$0x1];
	p0 =	sne.s32 s2, $0x0  }
0x28: {  	s3 =	rddreg [dreg:$0x2];
	[bflag:$0x3] =	sbarrier.arrive $0xFFFF;
	s2 =	simm.s32 @!p0 $0x1C02  }
0x29: {  	[timem:s3], [sflag:s2] =	dma.local @!p0 [hbm:s0], s1  }
0x2a: {  	s0 =	simm.s32 @!p0 $0x2  }
0x2b: {  	_ =	swait.ge @!p0 [sflag:s0], s1  }
0x2c: {  	s1 =	ssub.s32 @!p0 $0x0, s1;
	[sflag:s0] =	ssyncset.done @!p0 $0x0  }
0x2d: {  	[sflag:s0] =	ssyncadd.s32 @!p0 s1  }
0x2e: {  	[bflag:$0x3] =	sbarrier.arrive $0xFFFF  }
0x2f: {  	_ =	shalt  }

// kernel: kernel.14.cloned.1.call-start
scs
__scs_entry_jumppad:
0x0: {  	(pc) =	sbr.rel $0x88, $3  }
0x1: {  	(tag) =	ssettag $0x0;
	lr =	simm.s32 $0x1  }
0x2: {  	[smem:$0x3F7B] =	sst lr;
	_ =	strace $0xD0000000  }
0x3: {  	_ = 	snop  }
0x4: {  	_ = 	snop  }
0x5: {  	_ = 	snop  }
0x6: {  	_ = 	snop  }
0x7: {  	_ = 	snop  }
__scs_overlays_trampoline_lowered:
0x8: {  	[smem:$0x3F8A] =	sst s0  }
0x9: {  	[smem:$0x3F8B] =	sst s1  }
0xa: {  	[smem:$0x3F8C] =	sst s2  }
0xb: {  	[smem:$0x3F8D] =	sst s3  }
0xc: {  	[smem:$0x3F8E] =	sst s4  }
0xd: {  	[smem:$0x3F8F] =	sst s5  }
0xe: {  	[smem:$0x3F90] =	sst s6  }
0xf: {  	[smem:$0x3F91] =	sst s7  }
0x10: {  	[smem:$0x3F92] =	sst s8  }
0x11: {  	[smem:$0x3F93] =	sst s9;
	s0 =	simm.s32 @!p0 $0x0  }
0x12: {  	s1 =	sld [smem:$0x3F79];
	s0 =	simm.s32 @p0 $0x1  }
0x13: {  	[smem:$0x3F94] =	sst s0;
	s0 =	simm.s32 @!p1 $0x0  }
0x14: {  	s2 =	sld [smem:$0x3F78];
	s0 =	simm.s32 @p1 $0x1  }
0x15: {  	[smem:$0x3F95] =	sst s0;
	s0 =	simm.s32 @!p2 $0x0  }
0x16: {  	s3 =	sld [smem:$0x3FDB];
	s0 =	simm.s32 @p2 $0x1  }
0x17: {  	s4 =	simm.s32 $0x1BF5;
	[smem:$0x3F97] =	sst s0  }
0x18: {  	s0 =	sld [smem:$0x3F7A];
	_ =	swait.ge [sflag:s4], $0x0  }
0x19: {  	s7 =	sld [smem:$0x3F7B]  }
0x1a: {  	s8 =	sadd.s32 $0xFFFFE003, lr  }
0x1b: {  	s9 =	sadd.s32 $0xFFFFFEF7, lr;
	s5 =	simm.s32 $0xFFFFFFFF;
	p2 =	slt.u32 s8, $0xFFFFF086  }
0x1c: {  	p1 =	slt.u32 s9, $0xF7A;
	s5 =	simm.s32 @!p2 $0x0  }
0x1d: {  	s5 =	simm.s32 @p1 $0x1;
	p0 =	seq.s32 s7, s2  }
0x1e: {  	s7 =	smul.u32 @!p0 $0xF7A, s2;
	p2 =	seq.s32 @!p0 s5, $0x0  }
0x1f: {  	s9 =	smul.u32 $0xF7A, s1;
	s8 =	simm.s32 @!p0 $0x1BF5;
	p2 =	por !p2, p0  }
0x20: {  	[sflag:s8] =	ssyncset.s32 @!p0 $0xFFFFF086;
	s6 =	sadd.s32 @!p0 s3, s7;
	s7 =	simm.s32 @!p0 $0x108  }
0x21: {  	s3 =	sadd.s32 s3, s9;
	s6 =	sadd.s32 @!p0 $0x88, s6;
	s7 =	simm.s32 @p2 $0x1082  }
0x22: {  	[simem:s7], [sflag:s8] =	dma.local @!p0 [hbm:s6], $0xF7A  }
0x23: {  	s9 =	sor.u32 $0xD0000000, s2;
	s6 =	simm.s32 $0x108;
	_ =	swait.ge @!p0 [sflag:s8], $0x0  }
0x24: {  	s3 =	sadd.s32 $0x88, s3;
	s6 =	simm.s32 @!p1 $0x1082;
	[sflag:s4] =	ssyncset.s32 $0xFFFFF086  }
0x25: {  	[simem:s6], [sflag:s4] =	dma.local [hbm:s3], $0xF7A  }
0x26: {  	[smem:$0x3F7B] =	sst s1;
	(tag) =	ssettag s2;
	_ =	strace s9  }
0x27: {  	s1 =	sld [smem:$0x3F8B]  }
0x28: {  	s2 =	sld [smem:$0x3F8C]  }
0x29: {  	s4 =	sld [smem:$0x3F8E]  }
0x2a: {  	p0 =	seq.s32 s5, $0x0;
	s5 =	sld [smem:$0x3F8F]  }
0x2b: {  	s6 =	sld [smem:$0x3F90]  }
0x2c: {  	s7 =	sld [smem:$0x3F91]  }
0x2d: {  	s3 =	simm.s32 $0x108;
	s8 =	sld [smem:$0x3F92]  }
0x2e: {  	s3 =	simm.s32 @!p0 $0x1082;
	s9 =	sld [smem:$0x3F93]  }
0x2f: {  	lr =	sadd.s32 s0, s3;
	s0 =	sld [smem:$0x3F8A]  }
0x30: {  	s3 =	sld [smem:$0x3F8D]  }
0x31: {  	[smem:$0x3F96] =	sst s10  }
0x32: {  	s10 =	sld [smem:$0x3F94];
	_ =	sdelay $0x3  }
0x33: {  	p0 =	seq.s32 s10, $0x1;
	s10 =	sld [smem:$0x3F96];
	_ =	sdelay $0x3  }
0x34: {  	[smem:$0x3F96] =	sst s10  }
0x35: {  	s10 =	sld [smem:$0x3F95];
	_ =	sdelay $0x3  }
0x36: {  	p1 =	seq.s32 s10, $0x1;
	s10 =	sld [smem:$0x3F96];
	_ =	sdelay $0x3  }
0x37: {  	[smem:$0x3F96] =	sst s10  }
0x38: {  	s10 =	sld [smem:$0x3F97]  }
0x39: {  	_ = 	snop;
	(pc) =	sbr.ind lr, $3  }
0x3a: {  	_ = 	snop  }
0x3b: {  	_ = 	snop  }
0x3c: {  	p2 =	seq.s32 s10, $0x1;
	s10 =	sld [smem:$0x3F96]  }
0x3d: {  	_ =	shalt  }
0x3e: {  	_ =	shalt  }
0x3f: {  	_ =	shalt  }
0x40: {  	_ =	shalt  }
0x41: {  	_ =	shalt  }
0x42: {  	_ =	shalt  }
0x43: {  	_ =	shalt  }
0x44: {  	_ =	shalt  }
0x45: {  	_ =	shalt  }
0x46: {  	_ =	shalt  }
0x47: {  	_ =	shalt  }
0x48: {  	_ =	shalt  }
0x49: {  	_ =	shalt  }
0x4a: {  	_ =	shalt  }
0x4b: {  	_ =	shalt  }
0x4c: {  	_ =	shalt  }
0x4d: {  	_ =	shalt  }
0x4e: {  	_ =	shalt  }
0x4f: {  	_ =	shalt  }
0x50: {  	_ =	shalt  }
0x51: {  	_ =	shalt  }
0x52: {  	_ =	shalt  }
0x53: {  	_ =	shalt  }
0x54: {  	_ =	shalt  }
0x55: {  	_ =	shalt  }
0x56: {  	_ =	shalt  }
0x57: {  	_ =	shalt  }
0x58: {  	_ =	shalt  }
0x59: {  	_ =	shalt  }
0x5a: {  	_ =	shalt  }
0x5b: {  	_ =	shalt  }
0x5c: {  	_ =	shalt  }
0x5d: {  	_ =	shalt  }
0x5e: {  	_ =	shalt  }
0x5f: {  	_ =	shalt  }
0x60: {  	_ =	shalt  }
0x61: {  	_ =	shalt  }
0x62: {  	_ =	shalt  }
0x63: {  	_ =	shalt  }
0x64: {  	_ =	shalt  }
0x65: {  	_ =	shalt  }
0x66: {  	_ =	shalt  }
0x67: {  	_ =	shalt  }
0x68: {  	_ =	shalt  }
0x69: {  	_ =	shalt  }
0x6a: {  	_ =	shalt  }
0x6b: {  	_ =	shalt  }
0x6c: {  	_ =	shalt  }
0x6d: {  	_ =	shalt  }
0x6e: {  	_ =	shalt  }
0x6f: {  	_ =	shalt  }
0x70: {  	_ =	shalt  }
0x71: {  	_ =	shalt  }
0x72: {  	_ =	shalt  }
0x73: {  	_ =	shalt  }
0x74: {  	_ =	shalt  }
0x75: {  	_ =	shalt  }
0x76: {  	_ =	shalt  }
0x77: {  	_ =	shalt  }
0x78: {  	_ =	shalt  }
0x79: {  	_ =	shalt  }
0x7a: {  	_ =	shalt  }
0x7b: {  	_ =	shalt  }
0x7c: {  	_ =	shalt  }
0x7d: {  	_ =	shalt  }
0x7e: {  	_ =	shalt  }
0x7f: {  	_ =	shalt  }
0x80: {  	_ =	shalt  }
0x81: {  	_ =	shalt  }
0x82: {  	_ =	shalt  }
0x83: {  	_ =	shalt  }
0x84: {  	_ =	shalt  }
0x85: {  	_ =	shalt  }
0x86: {  	_ =	shalt  }
0x87: {  	_ =	shalt  }
.Lfunc_end0:
.L_simem_size_0:
called_computation.2_lowered:
.L_overlay_start_0:
0x88: {  	s2 =	sld [smem:$0x3FD9]  }
0x89: {  	s3 =	sld [smem:$0x3FFE];
	_ =	sdelay $0x1  }
0x8a: {  	s1 =	srdreg.scid  }
0x8b: {  	s0 =	sand.u32 $0x1, s1  }
0x8c: {  	s16 =	sshll.u32 s0, $0xA;
	s2 =	sadd.s32 s3, s2  }
0x8d: {  	s2 =	sadd.s32 s2, s16  }
0x8e: {  	[smem:$0x3FA2] =	sst s2  }
0x8f: {  	_ = 	snop  }
0x90: {  	(tm) =	ssettm $0x1  }
0x91: {  	s17 =	sld [smem:$0x3FFB];
	_ =	sdelay $0x3  }
0x92: {  	_ =	strace s17  }
0x93: {  	s2 =	sld [smem:$0x3FFC];
	_ =	sdelay $0x3  }
0x94: {  	_ =	strace s2  }
0x95: {  	s2 =	sld [smem:$0x3FFD];
	_ =	sdelay $0x3  }
0x96: {  	_ =	strace s2  }
0x97: {  	_ =	strace $0x8FFFFFFF  }
0x98: {  	s18 =	sld [smem:$0x3FDB];
	_ =	sdelay $0x1  }
0x99: {  	s19 =	simm.s32 $_scs_section_size  }
0x9a: {  	s4 =	simm.s32 $_size__tile_overlayer_lowered;
	s5 =	simm.s32 $_tile_overlayer_lowered  }
0x9b: {  	s22 =	simm.s32 $0x1BFF;
	s21 =	sshll.u32 s5, $0x1;
	s2 =	sadd.s32 s19, s18  }
0x9c: {  	s6 =	simm.s32 $0x0;
	s20 =	sshll.u32 s4, $0x1;
	s4 =	sadd.s32 s21, s2  }
0x9d: {  	[timem:s6], [sflag:s22] =	dma.local [hbm:s4], s20  }
0x9e: {  	_ =	swait.ge [sflag:s22], s20  }
0x9f: {  	s3 =	ssub.s32 $0x0, s20;
	[sflag:s22] =	ssyncset.done $0x0  }
0xa0: {  	[sflag:s22] =	ssyncadd.s32 s3;
	_ =	sdelay $0x1  }
0xa1: {  	s23 =	simm.s32 $0x1B8B  }
0xa2: {  	_ =	swait.ge [sflag:s23], $0x1  }
0xa3: {  	[sflag:s23] =	ssyncset.done $0x0  }
0xa4: {  	s25 =	simm.s32 $0x1B8E;
	s24 =	sld [smem:$0x3FFE];
	[sflag:s23] =	ssyncadd.s32 $0xFFFFFFFF  }
0xa5: {  	s26 =	simm.s32 $execute0_lowered;
	[smem:$0x3FD2] =	sst s25  }
0xa6: {  	s4 =	sshll.u32 s26, $0x1;
	_ =	strace $0x8000004C;
	[dreg:$0x1] =	wrdreg $0xFFFFFFFF  }
0xa7: {  	s28 =	simm.s32 $_size_execute0_lowered;
	s2 =	sadd.s32 s2, s4;
	[dreg:$0x0] =	wrdreg $0x0  }
0xa8: {  	s4 =	sshll.u32 s28, $0x1;
	[dreg:$0x2] =	wrdreg s2  }
0xa9: {  	[dreg:$0x3] =	wrdreg s4  }
0xaa: {  	[dreg:$0x4] =	wrdreg $0xC0  }
0xab: {  	_ =	task [dreg:s6], $0x5FFFF  }
0xac: {  	[dreg:$0x1] =	wrdreg $0xFFFFFFFF  }
0xad: {  	[dreg:$0x0] =	wrdreg $0x60  }
0xae: {  	[dreg:$0x2] =	wrdreg s24  }
0xaf: {  	[dreg:$0x3] =	wrdreg $0x9  }
0xb0: {  	_ =	task.clear_ibuf [dreg:s6], $0x4FFFF;
	_ =	strace $0x9000004C  }
0xb1: {  	s29 =	simm.s32 $0x9;
	_ =	strace $0x8000004E  }
0xb2: {  	_ =	swait.ge [sflag:s29], $0x1  }
0xb3: {  	[sflag:s29] =	ssyncadd.s32 $0xFFFFFFFF  }
0xb4: {  	_ =	strace $0x9000004E  }
0xb5: {  	_ =	sfence  }
0xb6: {  	s30 =	sld [smem:$0x0];
	_ =	sdelay $0x2  }
0xb7: {  	s31 =	sshll.u32 s1, $0xD;
	s1 =	sshrl.u32 s1, $0x2  }
0xb8: {  	s3 =	sand.u32 $0x4000, s31;
	s1 =	sadd.s32 s1, s30  }
0xb9: {  	s0 =	sor.u32 s3, s0;
	s1 =	sshll.u32 s1, $0x11  }
0xba: {  	s0 =	sor.u32 s1, s0  }
0xbb: {  	s0 =	sadd.s32 $0x8F2B, s0  }
0xbc: {  	[sflag:s0] =	ssyncadd.remote.s32 $0x1  }
0xbd: {  	_ =	sfence.sel $0xFFFF  }
0xbe: {  	[dreg:$0x0] =	wrdreg $0xFFFFFFFF;
	(pc) =	sbr.abs _section_cstart, $3  }
0xbf: {  	[dreg:$0x1] =	wrdreg $0xFFFFFFFF  }
0xc0: {  	_ =	task.clear_ibuf [dreg:s6], $0x2FFFF;
	_ =	strace $0x9FFFFFFF  }
0xc1: {  	(tm) =	ssettm $0x7FFFFFFF  }
tec
execute0_lowered:
.L_overlay_start_1:
0x0: {  	(tag) =	ssettag $0x1  }
0x1: {  	s1 =	srdreg.scid  }
0x2: {  	s0 =	stileid.u32;
	s14 =	sand.u32 $0x1, s1  }
0x3: {  	s8 =	rddreg [dreg:$0x0];
	s3 =	sshll.u32 s0, $0xE;
	s4 =	sshll.u32 s14, $0xD  }
0x4: {  	s2 =	simm.s32 $0x0;
	s1 =	rddreg [dreg:$0x1];
	s13 =	sor.u32 s4, s3  }
0x5: {  	[smem:$0x7FF] =	sst s2;
	s15 =	sadd.s32 $0x48E00, s8;
	s3 =	sshrl.u32 s13, $0x3  }
0x6: {  	_ =	strace $0x8000004D;
	s4 =	sadd.s32 s15, s3;
	s3 =	simm.s32 $0x2  }
0x7: {  	[tilespmem:s2], [sflag:$0x2] =	stream.linear.gather [hbm4b:s4+s2], $0x800, $0x38;
	[tilespmem:$0x8800] =	vst v63  }
0x8: {  	_ =	swait.ge [sflag:s3], $0x800  }
0x9: {  	s6 =	simm.s32 $0x800;
	[sflag:s3] =	ssyncset.done $0x0  }
0xa: {  	s7 =	simm.s32 $0x1;
	s5 =	sadd.s32 $0x7A00, s8;
	[sflag:s3] =	ssyncadd.s32 $0xFFFFF800  }
0xb: {  	[tilespmem:s6], [sflag:$0x1] =	stream.indirect.gather [hbm4b:s5+s6], $0x10, s2, s6, $0xb8;
	[tilespmem:$0x8800] =	vst v63  }
0xc: {  	_ =	swait.ge [sflag:s7], $0x8000  }
0xd: {  	s16 =	sadd.s32 $0x50E00, s8;
	s29 =	sshll.u32 s13, $0x1;
	[sflag:s7] =	ssyncset.done $0x0  }
0xe: {  	s8 =	sadd.s32 s16, s29;
	[sflag:s7] =	ssyncadd.s32 $0xFFFF8000  }
0xf: {  	[hbm4b:s8+s2] =	stream.linear.scatter [tilespmem:s6], [sflag:$0x2], $0x8000, $0x38;
	[tilespmem:$0x8800] =	vst v63  }
0x10: {  	s10 =	sor.u32 $0x800, s13;
	_ =	swait.ge [sflag:s3], $0x8000  }
0x11: {  	s9 =	sshrl.u32 s10, $0x3;
	[sflag:s3] =	ssyncset.done $0x0  }
0x12: {  	s9 =	sadd.s32 s15, s9;
	[sflag:s3] =	ssyncadd.s32 $0xFFFF8000  }
0x13: {  	[tilespmem:s2], [sflag:$0x2] =	stream.linear.gather [hbm4b:s9+s2], $0x800, $0x38;
	[tilespmem:$0x8800] =	vst v63  }
0x14: {  	_ =	swait.ge [sflag:s3], $0x800  }
0x15: {  	[sflag:s3] =	ssyncset.done $0x0  }
0x16: {  	[sflag:s3] =	ssyncadd.s32 $0xFFFFF800  }
0x17: {  	[tilespmem:s6], [sflag:$0x1] =	stream.indirect.gather [hbm4b:s5+s6], $0x10, s2, s6, $0xb8;
	[tilespmem:$0x8800] =	vst v63  }
0x18: {  	_ =	swait.ge [sflag:s7], $0x8000  }
0x19: {  	s10 =	sshll.u32 s10, $0x1;
	[sflag:s7] =	ssyncset.done $0x0  }
0x1a: {  	s10 =	sadd.s32 s16, s10;
	[sflag:s7] =	ssyncadd.s32 $0xFFFF8000  }
0x1b: {  	[hbm4b:s10+s2] =	stream.linear.scatter [tilespmem:s6], [sflag:$0x2], $0x8000, $0x38;
	[tilespmem:$0x8800] =	vst v63  }
0x1c: {  	s12 =	sor.u32 $0x1000, s13;
	_ =	swait.ge [sflag:s3], $0x8000  }
0x1d: {  	s11 =	sshrl.u32 s12, $0x3;
	[sflag:s3] =	ssyncset.done $0x0  }
0x1e: {  	s11 =	sadd.s32 s15, s11;
	[sflag:s3] =	ssyncadd.s32 $0xFFFF8000  }
0x1f: {  	[tilespmem:s2], [sflag:$0x2] =	stream.linear.gather [hbm4b:s11+s2], $0x800, $0x38;
	[tilespmem:$0x8800] =	vst v63  }
0x20: {  	_ =	swait.ge [sflag:s3], $0x800  }
0x21: {  	[sflag:s3] =	ssyncset.done $0x0  }
0x22: {  	[sflag:s3] =	ssyncadd.s32 $0xFFFFF800  }
0x23: {  	[tilespmem:s6], [sflag:$0x1] =	stream.indirect.gather [hbm4b:s5+s6], $0x10, s2, s6, $0xb8;
	[tilespmem:$0x8800] =	vst v63  }
0x24: {  	_ =	swait.ge [sflag:s7], $0x8000  }
0x25: {  	s12 =	sshll.u32 s12, $0x1;
	[sflag:s7] =	ssyncset.done $0x0  }
0x26: {  	s12 =	sadd.s32 s16, s12;
	[sflag:s7] =	ssyncadd.s32 $0xFFFF8000  }
0x27: {  	[hbm4b:s12+s2] =	stream.linear.scatter [tilespmem:s6], [sflag:$0x2], $0x8000, $0x38;
	[tilespmem:$0x8800] =	vst v63  }
0x28: {  	s17 =	sor.u32 $0x1800, s13;
	_ =	swait.ge [sflag:s3], $0x8000  }
0x29: {  	s13 =	sshrl.u32 s17, $0x3;
	[sflag:s3] =	ssyncset.done $0x0  }
0x2a: {  	s14 =	ssub.s32 $0x2, s14;
	s13 =	sadd.s32 s15, s13;
	[sflag:s3] =	ssyncadd.s32 $0xFFFF8000  }
0x2b: {  	[tilespmem:s2], [sflag:$0x2] =	stream.linear.gather [hbm4b:s13+s2], $0x800, $0x38;
	[tilespmem:$0x8800] =	vst v63  }
0x2c: {  	s30 =	sshrl.u32 s14, $0x1;
	_ =	swait.ge [sflag:s3], $0x800  }
0x2d: {  	s15 =	ssub.s32 s14, s30;
	[sflag:s3] =	ssyncset.done $0x0  }
0x2e: {  	s15 =	smax.u32 s15, $0x1;
	[sflag:s3] =	ssyncadd.s32 $0xFFFFF800  }
0x2f: {  	[tilespmem:s6], [sflag:$0x1] =	stream.indirect.gather [hbm4b:s5+s6], $0x10, s2, s6, $0xb8;
	[tilespmem:$0x8800] =	vst v63  }
0x30: {  	p0 =	sne.s32 s15, $0x1;
	_ =	swait.ge [sflag:s7], $0x8000  }
.Ltmp0:
0x31: {  	s31 =	sshll.u32 s17, $0x1;
	[sflag:s7] =	ssyncset.done $0x0;
	(pc) =	sbr.rel @!p0 .LBB2_2-.Ltmp0, $4  }
0x32: {  	s14 =	sadd.s32 s16, s31;
	[sflag:s7] =	ssyncadd.s32 $0xFFFF8000  }
0x33: {  	[hbm4b:s14+s2] =	stream.linear.scatter [tilespmem:s6], [sflag:$0x2], $0x8000, $0x38;
	[tilespmem:$0x8800] =	vst v63  }
0x34: {  	_ =	swait.ge [sflag:s3], $0x8000  }
0x35: {  	s15 =	sadd.s32 $0xFFFFFFFF, s15;
	[sflag:s3] =	ssyncset.done $0x0  }
.LBB2_1:
0x36: {  	p0 =	sne.s32 s15, $0x1;
	s15 =	sadd.s32 $0xFFFFFFFF, s15;
	[sflag:s3] =	ssyncadd.s32 $0xFFFF8000  }
0x37: {  	[tilespmem:s2], [sflag:$0x2] =	stream.linear.gather [hbm4b:s4+s2], $0x800, $0x38;
	[tilespmem:$0x8800] =	vst v63  }
0x38: {  	_ =	swait.ge [sflag:s3], $0x800  }
0x39: {  	[sflag:s3] =	ssyncset.done $0x0  }
0x3a: {  	[sflag:s3] =	ssyncadd.s32 $0xFFFFF800  }
0x3b: {  	[tilespmem:s6], [sflag:$0x1] =	stream.indirect.gather [hbm4b:s5+s6], $0x10, s2, s6, $0xb8;
	[tilespmem:$0x8800] =	vst v63  }
0x3c: {  	_ =	swait.ge [sflag:s7], $0x8000  }
0x3d: {  	[sflag:s7] =	ssyncset.done $0x0  }
0x3e: {  	[sflag:s7] =	ssyncadd.s32 $0xFFFF8000  }
0x3f: {  	[hbm4b:s8+s2] =	stream.linear.scatter [tilespmem:s6], [sflag:$0x2], $0x8000, $0x38;
	[tilespmem:$0x8800] =	vst v63  }
0x40: {  	_ =	swait.ge [sflag:s3], $0x8000  }
0x41: {  	[sflag:s3] =	ssyncset.done $0x0  }
0x42: {  	[sflag:s3] =	ssyncadd.s32 $0xFFFF8000  }
0x43: {  	[tilespmem:s2], [sflag:$0x2] =	stream.linear.gather [hbm4b:s9+s2], $0x800, $0x38;
	[tilespmem:$0x8800] =	vst v63  }
0x44: {  	_ =	swait.ge [sflag:s3], $0x800  }
0x45: {  	[sflag:s3] =	ssyncset.done $0x0  }
0x46: {  	[sflag:s3] =	ssyncadd.s32 $0xFFFFF800  }
0x47: {  	[tilespmem:s6], [sflag:$0x1] =	stream.indirect.gather [hbm4b:s5+s6], $0x10, s2, s6, $0xb8;
	[tilespmem:$0x8800] =	vst v63  }
0x48: {  	_ =	swait.ge [sflag:s7], $0x8000  }
0x49: {  	[sflag:s7] =	ssyncset.done $0x0  }
0x4a: {  	[sflag:s7] =	ssyncadd.s32 $0xFFFF8000  }
0x4b: {  	[hbm4b:s10+s2] =	stream.linear.scatter [tilespmem:s6], [sflag:$0x2], $0x8000, $0x38;
	[tilespmem:$0x8800] =	vst v63  }
0x4c: {  	_ =	swait.ge [sflag:s3], $0x8000  }
0x4d: {  	[sflag:s3] =	ssyncset.done $0x0  }
0x4e: {  	[sflag:s3] =	ssyncadd.s32 $0xFFFF8000  }
0x4f: {  	[tilespmem:s2], [sflag:$0x2] =	stream.linear.gather [hbm4b:s11+s2], $0x800, $0x38;
	[tilespmem:$0x8800] =	vst v63  }
0x50: {  	_ =	swait.ge [sflag:s3], $0x800  }
0x51: {  	[sflag:s3] =	ssyncset.done $0x0  }
0x52: {  	[sflag:s3] =	ssyncadd.s32 $0xFFFFF800  }
0x53: {  	[tilespmem:s6], [sflag:$0x1] =	stream.indirect.gather [hbm4b:s5+s6], $0x10, s2, s6, $0xb8;
	[tilespmem:$0x8800] =	vst v63  }
0x54: {  	_ =	swait.ge [sflag:s7], $0x8000  }
0x55: {  	[sflag:s7] =	ssyncset.done $0x0  }
0x56: {  	[sflag:s7] =	ssyncadd.s32 $0xFFFF8000  }
0x57: {  	[hbm4b:s12+s2] =	stream.linear.scatter [tilespmem:s6], [sflag:$0x2], $0x8000, $0x38;
	[tilespmem:$0x8800] =	vst v63  }
0x58: {  	_ =	swait.ge [sflag:s3], $0x8000  }
0x59: {  	[sflag:s3] =	ssyncset.done $0x0  }
0x5a: {  	[sflag:s3] =	ssyncadd.s32 $0xFFFF8000  }
0x5b: {  	[tilespmem:s2], [sflag:$0x2] =	stream.linear.gather [hbm4b:s13+s2], $0x800, $0x38;
	[tilespmem:$0x8800] =	vst v63  }
0x5c: {  	_ =	swait.ge [sflag:s3], $0x800  }
0x5d: {  	[sflag:s3] =	ssyncset.done $0x0  }
0x5e: {  	[sflag:s3] =	ssyncadd.s32 $0xFFFFF800  }
0x5f: {  	[tilespmem:s6], [sflag:$0x1] =	stream.indirect.gather [hbm4b:s5+s6], $0x10, s2, s6, $0xb8;
	[tilespmem:$0x8800] =	vst v63  }
0x60: {  	_ =	swait.ge [sflag:s7], $0x8000  }
.Ltmp1:
0x61: {  	[sflag:s7] =	ssyncset.done $0x0;
	(pc) =	sbr.rel @p0 .LBB2_1-.Ltmp1, $4  }
0x62: {  	[sflag:s7] =	ssyncadd.s32 $0xFFFF8000  }
0x63: {  	[hbm4b:s14+s2] =	stream.linear.scatter [tilespmem:s6], [sflag:$0x2], $0x8000, $0x38;
	[tilespmem:$0x8800] =	vst v63  }
0x64: {  	_ =	swait.ge [sflag:s3], $0x8000  }
0x65: {  	[sflag:s3] =	ssyncset.done $0x0  }
.LBB2_2:
0x66: {  	[sflag:s3] =	ssyncadd.s32 $0xFFFF8000  }
0x67: {  	_ =	sfence.sel $0x180000  }
0x68: {  	[bflag:$0x0] =	sbarrier.arrive $0xFFFF  }
0x69: {  	p0 =	sne.s32 s0, $0x0;
	_ =	strace $0x9000004D  }
0x6a: {  	s0 =	sadd.s32 @!p0 $0x100000, s1;
	[bflag:$0x2] =	sbarrier.arrive $0xFFFF  }
0x6b: {  	[sflag:s0] =	ssyncadd.tile.s32 @!p0 $0x1;
	_ =	shalt  }
.Lfunc_end2:
_tile_overlayer_lowered:
.L_overlay_start_2:
0x6c: {  	(tag) =	ssettag $0x2  }
0x6d: {  	s0 =	rddreg [dreg:$0x0];
	s2 =	stileid.u32  }
0x6e: {  	s1 =	rddreg [dreg:$0x1];
	p0 =	sne.s32 s2, $0x0  }
0x6f: {  	s3 =	rddreg [dreg:$0x2];
	[bflag:$0x3] =	sbarrier.arrive $0xFFFF;
	s2 =	simm.s32 @!p0 $0x1C02  }
0x70: {  	[timem:s3], [sflag:s2] =	dma.local @!p0 [hbm:s0], s1  }
0x71: {  	s0 =	simm.s32 @!p0 $0x2  }
0x72: {  	_ =	swait.ge @!p0 [sflag:s0], s1  }
0x73: {  	s1 =	ssub.s32 @!p0 $0x0, s1;
	[sflag:s0] =	ssyncset.done @!p0 $0x0  }
0x74: {  	[sflag:s0] =	ssyncadd.s32 @!p0 s1  }
0x75: {  	[bflag:$0x3] =	sbarrier.arrive $0xFFFF  }
0x76: {  	_ =	shalt  }

// kernel: kernel.17.cloned.1.call-start
scs
__scs_entry_jumppad:
0x0: {  	(pc) =	sbr.rel $0x88, $3  }
0x1: {  	(tag) =	ssettag $0x0;
	lr =	simm.s32 $0x1  }
0x2: {  	[smem:$0x3F7B] =	sst lr;
	_ =	strace $0xD0000000  }
0x3: {  	_ = 	snop  }
0x4: {  	_ = 	snop  }
0x5: {  	_ = 	snop  }
0x6: {  	_ = 	snop  }
0x7: {  	_ = 	snop  }
__scs_overlays_trampoline_lowered:
0x8: {  	[smem:$0x3F8A] =	sst s0  }
0x9: {  	[smem:$0x3F8B] =	sst s1  }
0xa: {  	[smem:$0x3F8C] =	sst s2  }
0xb: {  	[smem:$0x3F8D] =	sst s3  }
0xc: {  	[smem:$0x3F8E] =	sst s4  }
0xd: {  	[smem:$0x3F8F] =	sst s5  }
0xe: {  	[smem:$0x3F90] =	sst s6  }
0xf: {  	[smem:$0x3F91] =	sst s7  }
0x10: {  	[smem:$0x3F92] =	sst s8  }
0x11: {  	[smem:$0x3F93] =	sst s9;
	s0 =	simm.s32 @!p0 $0x0  }
0x12: {  	s1 =	sld [smem:$0x3F79];
	s0 =	simm.s32 @p0 $0x1  }
0x13: {  	[smem:$0x3F94] =	sst s0;
	s0 =	simm.s32 @!p1 $0x0  }
0x14: {  	s2 =	sld [smem:$0x3F78];
	s0 =	simm.s32 @p1 $0x1  }
0x15: {  	[smem:$0x3F95] =	sst s0;
	s0 =	simm.s32 @!p2 $0x0  }
0x16: {  	s3 =	sld [smem:$0x3FDB];
	s0 =	simm.s32 @p2 $0x1  }
0x17: {  	s4 =	simm.s32 $0x1BF5;
	[smem:$0x3F97] =	sst s0  }
0x18: {  	s0 =	sld [smem:$0x3F7A];
	_ =	swait.ge [sflag:s4], $0x0  }
0x19: {  	s7 =	sld [smem:$0x3F7B]  }
0x1a: {  	s8 =	sadd.s32 $0xFFFFE003, lr  }
0x1b: {  	s9 =	sadd.s32 $0xFFFFFEF7, lr;
	s5 =	simm.s32 $0xFFFFFFFF;
	p2 =	slt.u32 s8, $0xFFFFF086  }
0x1c: {  	p1 =	slt.u32 s9, $0xF7A;
	s5 =	simm.s32 @!p2 $0x0  }
0x1d: {  	s5 =	simm.s32 @p1 $0x1;
	p0 =	seq.s32 s7, s2  }
0x1e: {  	s7 =	smul.u32 @!p0 $0xF7A, s2;
	p2 =	seq.s32 @!p0 s5, $0x0  }
0x1f: {  	s9 =	smul.u32 $0xF7A, s1;
	s8 =	simm.s32 @!p0 $0x1BF5;
	p2 =	por !p2, p0  }
0x20: {  	[sflag:s8] =	ssyncset.s32 @!p0 $0xFFFFF086;
	s6 =	sadd.s32 @!p0 s3, s7;
	s7 =	simm.s32 @!p0 $0x108  }
0x21: {  	s3 =	sadd.s32 s3, s9;
	s6 =	sadd.s32 @!p0 $0x88, s6;
	s7 =	simm.s32 @p2 $0x1082  }
0x22: {  	[simem:s7], [sflag:s8] =	dma.local @!p0 [hbm:s6], $0xF7A  }
0x23: {  	s9 =	sor.u32 $0xD0000000, s2;
	s6 =	simm.s32 $0x108;
	_ =	swait.ge @!p0 [sflag:s8], $0x0  }
0x24: {  	s3 =	sadd.s32 $0x88, s3;
	s6 =	simm.s32 @!p1 $0x1082;
	[sflag:s4] =	ssyncset.s32 $0xFFFFF086  }
0x25: {  	[simem:s6], [sflag:s4] =	dma.local [hbm:s3], $0xF7A  }
0x26: {  	[smem:$0x3F7B] =	sst s1;
	(tag) =	ssettag s2;
	_ =	strace s9  }
0x27: {  	s1 =	sld [smem:$0x3F8B]  }
0x28: {  	s2 =	sld [smem:$0x3F8C]  }
0x29: {  	s4 =	sld [smem:$0x3F8E]  }
0x2a: {  	p0 =	seq.s32 s5, $0x0;
	s5 =	sld [smem:$0x3F8F]  }
0x2b: {  	s6 =	sld [smem:$0x3F90]  }
0x2c: {  	s7 =	sld [smem:$0x3F91]  }
0x2d: {  	s3 =	simm.s32 $0x108;
	s8 =	sld [smem:$0x3F92]  }
0x2e: {  	s3 =	simm.s32 @!p0 $0x1082;
	s9 =	sld [smem:$0x3F93]  }
0x2f: {  	lr =	sadd.s32 s0, s3;
	s0 =	sld [smem:$0x3F8A]  }
0x30: {  	s3 =	sld [smem:$0x3F8D]  }
0x31: {  	[smem:$0x3F96] =	sst s10  }
0x32: {  	s10 =	sld [smem:$0x3F94];
	_ =	sdelay $0x3  }
0x33: {  	p0 =	seq.s32 s10, $0x1;
	s10 =	sld [smem:$0x3F96];
	_ =	sdelay $0x3  }
0x34: {  	[smem:$0x3F96] =	sst s10  }
0x35: {  	s10 =	sld [smem:$0x3F95];
	_ =	sdelay $0x3  }
0x36: {  	p1 =	seq.s32 s10, $0x1;
	s10 =	sld [smem:$0x3F96];
	_ =	sdelay $0x3  }
0x37: {  	[smem:$0x3F96] =	sst s10  }
0x38: {  	s10 =	sld [smem:$0x3F97]  }
0x39: {  	_ = 	snop;
	(pc) =	sbr.ind lr, $3  }
0x3a: {  	_ = 	snop  }
0x3b: {  	_ = 	snop  }
0x3c: {  	p2 =	seq.s32 s10, $0x1;
	s10 =	sld [smem:$0x3F96]  }
0x3d: {  	_ =	shalt  }
0x3e: {  	_ =	shalt  }
0x3f: {  	_ =	shalt  }
0x40: {  	_ =	shalt  }
0x41: {  	_ =	shalt  }
0x42: {  	_ =	shalt  }
0x43: {  	_ =	shalt  }
0x44: {  	_ =	shalt  }
0x45: {  	_ =	shalt  }
0x46: {  	_ =	shalt  }
0x47: {  	_ =	shalt  }
0x48: {  	_ =	shalt  }
0x49: {  	_ =	shalt  }
0x4a: {  	_ =	shalt  }
0x4b: {  	_ =	shalt  }
0x4c: {  	_ =	shalt  }
0x4d: {  	_ =	shalt  }
0x4e: {  	_ =	shalt  }
0x4f: {  	_ =	shalt  }
0x50: {  	_ =	shalt  }
0x51: {  	_ =	shalt  }
0x52: {  	_ =	shalt  }
0x53: {  	_ =	shalt  }
0x54: {  	_ =	shalt  }
0x55: {  	_ =	shalt  }
0x56: {  	_ =	shalt  }
0x57: {  	_ =	shalt  }
0x58: {  	_ =	shalt  }
0x59: {  	_ =	shalt  }
0x5a: {  	_ =	shalt  }
0x5b: {  	_ =	shalt  }
0x5c: {  	_ =	shalt  }
0x5d: {  	_ =	shalt  }
0x5e: {  	_ =	shalt  }
0x5f: {  	_ =	shalt  }
0x60: {  	_ =	shalt  }
0x61: {  	_ =	shalt  }
0x62: {  	_ =	shalt  }
0x63: {  	_ =	shalt  }
0x64: {  	_ =	shalt  }
0x65: {  	_ =	shalt  }
0x66: {  	_ =	shalt  }
0x67: {  	_ =	shalt  }
0x68: {  	_ =	shalt  }
0x69: {  	_ =	shalt  }
0x6a: {  	_ =	shalt  }
0x6b: {  	_ =	shalt  }
0x6c: {  	_ =	shalt  }
0x6d: {  	_ =	shalt  }
0x6e: {  	_ =	shalt  }
0x6f: {  	_ =	shalt  }
0x70: {  	_ =	shalt  }
0x71: {  	_ =	shalt  }
0x72: {  	_ =	shalt  }
0x73: {  	_ =	shalt  }
0x74: {  	_ =	shalt  }
0x75: {  	_ =	shalt  }
0x76: {  	_ =	shalt  }
0x77: {  	_ =	shalt  }
0x78: {  	_ =	shalt  }
0x79: {  	_ =	shalt  }
0x7a: {  	_ =	shalt  }
0x7b: {  	_ =	shalt  }
0x7c: {  	_ =	shalt  }
0x7d: {  	_ =	shalt  }
0x7e: {  	_ =	shalt  }
0x7f: {  	_ =	shalt  }
0x80: {  	_ =	shalt  }
0x81: {  	_ =	shalt  }
0x82: {  	_ =	shalt  }
0x83: {  	_ =	shalt  }
0x84: {  	_ =	shalt  }
0x85: {  	_ =	shalt  }
0x86: {  	_ =	shalt  }
0x87: {  	_ =	shalt  }
.Lfunc_end0:
.L_simem_size_0:
called_computation.3_lowered:
.L_overlay_start_0:
0x88: {  	s2 =	sld [smem:$0x3FD9]  }
0x89: {  	s3 =	sld [smem:$0x3FFE];
	_ =	sdelay $0x1  }
0x8a: {  	s1 =	srdreg.scid  }
0x8b: {  	s0 =	sand.u32 $0x1, s1  }
0x8c: {  	s16 =	sshll.u32 s0, $0xA;
	s2 =	sadd.s32 s3, s2  }
0x8d: {  	s2 =	sadd.s32 s2, s16  }
0x8e: {  	[smem:$0x3FA2] =	sst s2  }
0x8f: {  	_ = 	snop  }
0x90: {  	(tm) =	ssettm $0x1  }
0x91: {  	s17 =	sld [smem:$0x3FFB];
	_ =	sdelay $0x3  }
0x92: {  	_ =	strace s17  }
0x93: {  	s2 =	sld [smem:$0x3FFC];
	_ =	sdelay $0x3  }
0x94: {  	_ =	strace s2  }
0x95: {  	s2 =	sld [smem:$0x3FFD];
	_ =	sdelay $0x3  }
0x96: {  	_ =	strace s2  }
0x97: {  	_ =	strace $0x8FFFFFFF  }
0x98: {  	s18 =	sld [smem:$0x3FDB];
	_ =	sdelay $0x1  }
0x99: {  	s19 =	simm.s32 $_scs_section_size  }
0x9a: {  	s4 =	simm.s32 $_size__tile_overlayer_lowered;
	s5 =	simm.s32 $_tile_overlayer_lowered  }
0x9b: {  	s22 =	simm.s32 $0x1BFF;
	s21 =	sshll.u32 s5, $0x1;
	s2 =	sadd.s32 s19, s18  }
0x9c: {  	s6 =	simm.s32 $0x0;
	s20 =	sshll.u32 s4, $0x1;
	s4 =	sadd.s32 s21, s2  }
0x9d: {  	[timem:s6], [sflag:s22] =	dma.local [hbm:s4], s20  }
0x9e: {  	_ =	swait.ge [sflag:s22], s20  }
0x9f: {  	s3 =	ssub.s32 $0x0, s20;
	[sflag:s22] =	ssyncset.done $0x0  }
0xa0: {  	[sflag:s22] =	ssyncadd.s32 s3;
	_ =	sdelay $0x1  }
0xa1: {  	s23 =	simm.s32 $0x1B8B  }
0xa2: {  	_ =	swait.ge [sflag:s23], $0x1  }
0xa3: {  	[sflag:s23] =	ssyncset.done $0x0  }
0xa4: {  	s25 =	simm.s32 $0x1B8E;
	s24 =	sld [smem:$0x3FFE];
	[sflag:s23] =	ssyncadd.s32 $0xFFFFFFFF  }
0xa5: {  	s26 =	simm.s32 $execute0_lowered;
	[smem:$0x3FD2] =	sst s25  }
0xa6: {  	s4 =	sshll.u32 s26, $0x1;
	_ =	strace $0x8000004F;
	[dreg:$0x1] =	wrdreg $0xFFFFFFFF  }
0xa7: {  	s28 =	simm.s32 $_size_execute0_lowered;
	s2 =	sadd.s32 s2, s4;
	[dreg:$0x0] =	wrdreg $0x0  }
0xa8: {  	s4 =	sshll.u32 s28, $0x1;
	[dreg:$0x2] =	wrdreg s2  }
0xa9: {  	[dreg:$0x3] =	wrdreg s4  }
0xaa: {  	[dreg:$0x4] =	wrdreg $0xC0  }
0xab: {  	_ =	task [dreg:s6], $0x5FFFF  }
0xac: {  	[dreg:$0x1] =	wrdreg $0xFFFFFFFF  }
0xad: {  	[dreg:$0x0] =	wrdreg $0x60  }
0xae: {  	[dreg:$0x2] =	wrdreg s24  }
0xaf: {  	[dreg:$0x3] =	wrdreg $0x9  }
0xb0: {  	_ =	task.clear_ibuf [dreg:s6], $0x4FFFF;
	_ =	strace $0x9000004F  }
0xb1: {  	s29 =	simm.s32 $0x9;
	_ =	strace $0x80000051  }
0xb2: {  	_ =	swait.ge [sflag:s29], $0x1  }
0xb3: {  	[sflag:s29] =	ssyncadd.s32 $0xFFFFFFFF  }
0xb4: {  	_ =	strace $0x90000051  }
0xb5: {  	_ =	sfence  }
0xb6: {  	s30 =	sld [smem:$0x0];
	_ =	sdelay $0x2  }
0xb7: {  	s31 =	sshll.u32 s1, $0xD;
	s1 =	sshrl.u32 s1, $0x2  }
0xb8: {  	s3 =	sand.u32 $0x4000, s31;
	s1 =	sadd.s32 s1, s30  }
0xb9: {  	s0 =	sor.u32 s3, s0;
	s1 =	sshll.u32 s1, $0x11  }
0xba: {  	s0 =	sor.u32 s1, s0  }
0xbb: {  	s0 =	sadd.s32 $0x8F2B, s0  }
0xbc: {  	[sflag:s0] =	ssyncadd.remote.s32 $0x1  }
0xbd: {  	_ =	sfence.sel $0xFFFF  }
0xbe: {  	[dreg:$0x0] =	wrdreg $0xFFFFFFFF;
	(pc) =	sbr.abs _section_cstart, $3  }
0xbf: {  	[dreg:$0x1] =	wrdreg $0xFFFFFFFF  }
0xc0: {  	_ =	task.clear_ibuf [dreg:s6], $0x2FFFF;
	_ =	strace $0x9FFFFFFF  }
0xc1: {  	(tm) =	ssettm $0x7FFFFFFF  }
tec
execute0_lowered:
.L_overlay_start_1:
0x0: {  	(tag) =	ssettag $0x1  }
0x1: {  	s1 =	srdreg.scid  }
0x2: {  	s0 =	stileid.u32;
	s6 =	sand.u32 $0x1, s1  }
0x3: {  	s8 =	rddreg [dreg:$0x0];
	s30 =	sshll.u32 s0, $0x7;
	s2 =	sshll.u32 s6, $0x6  }
0x4: {  	s1 =	rddreg [dreg:$0x1];
	s5 =	sadd.s32 $0x7A00, s8;
	s7 =	sor.u32 s2, s30  }
0x5: {  	s10 =	ssub.s32 $0x2, s6;
	s2 =	simm.s32 $0x0;
	s3 =	sshrl.u32 s7, $0x3  }
0x6: {  	s6 =	simm.s32 $0x40;
	[smem:$0x7FF] =	sst s2;
	s3 =	sadd.s32 s3, s8  }
0x7: {  	_ =	strace $0x80000050;
	s4 =	sadd.s32 $0xD1C00, s3;
	s3 =	simm.s32 $0x2  }
0x8: {  	[tilespmem:s2], [sflag:$0x2] =	stream.linear.gather [hbm4b:s4+s2], $0x40, $0x38;
	[tilespmem:$0x2440] =	vst v63  }
0x9: {  	s11 =	sshrl.u32 s10, $0x1;
	s9 =	smul.u32 $0x12, s7;
	_ =	swait.ge [sflag:s3], $0x40  }
0xa: {  	s7 =	simm.s32 $0x1;
	s31 =	ssub.s32 s10, s11;
	[sflag:s3] =	ssyncset.done $0x0  }
0xb: {  	s8 =	sadd.s32 s9, s8;
	s9 =	smax.u32 s31, $0x1;
	[sflag:s3] =	ssyncadd.s32 $0xFFFFFFC0  }
0xc: {  	[tilespmem:s6], [sflag:$0x1] =	stream.indirect.gather [hbm4b:s5+s6], $0x90, s2, s6, $0xb8;
	[tilespmem:$0x2440] =	vst v63  }
0xd: {  	p0 =	sne.s32 s9, $0x1;
	_ =	swait.ge [sflag:s7], $0x2400  }
.Ltmp0:
0xe: {  	[sflag:s7] =	ssyncset.done $0x0;
	(pc) =	sbr.rel @!p0 .LBB2_2-.Ltmp0, $4  }
0xf: {  	s8 =	sadd.s32 $0x2BA00, s8;
	[sflag:s7] =	ssyncadd.s32 $0xFFFFDC00  }
0x10: {  	[hbm4b:s8+s2] =	stream.linear.scatter [tilespmem:s6], [sflag:$0x2], $0x2400, $0x38;
	[tilespmem:$0x2440] =	vst v63  }
0x11: {  	_ =	swait.ge [sflag:s3], $0x2400  }
0x12: {  	s9 =	sadd.s32 $0xFFFFFFFF, s9;
	[sflag:s3] =	ssyncset.done $0x0  }
.LBB2_1:
0x13: {  	p0 =	sne.s32 s9, $0x1;
	s9 =	sadd.s32 $0xFFFFFFFF, s9;
	[sflag:s3] =	ssyncadd.s32 $0xFFFFDC00  }
0x14: {  	[tilespmem:s2], [sflag:$0x2] =	stream.linear.gather [hbm4b:s4+s2], $0x40, $0x38;
	[tilespmem:$0x2440] =	vst v63  }
0x15: {  	_ =	swait.ge [sflag:s3], $0x40  }
0x16: {  	[sflag:s3] =	ssyncset.done $0x0  }
0x17: {  	[sflag:s3] =	ssyncadd.s32 $0xFFFFFFC0  }
0x18: {  	[tilespmem:s6], [sflag:$0x1] =	stream.indirect.gather [hbm4b:s5+s6], $0x90, s2, s6, $0xb8;
	[tilespmem:$0x2440] =	vst v63  }
0x19: {  	_ =	swait.ge [sflag:s7], $0x2400  }
.Ltmp1:
0x1a: {  	[sflag:s7] =	ssyncset.done $0x0;
	(pc) =	sbr.rel @p0 .LBB2_1-.Ltmp1, $4  }
0x1b: {  	[sflag:s7] =	ssyncadd.s32 $0xFFFFDC00  }
0x1c: {  	[hbm4b:s8+s2] =	stream.linear.scatter [tilespmem:s6], [sflag:$0x2], $0x2400, $0x38;
	[tilespmem:$0x2440] =	vst v63  }
0x1d: {  	_ =	swait.ge [sflag:s3], $0x2400  }
0x1e: {  	[sflag:s3] =	ssyncset.done $0x0  }
.LBB2_2:
0x1f: {  	[sflag:s3] =	ssyncadd.s32 $0xFFFFDC00  }
0x20: {  	_ =	sfence.sel $0x180000  }
0x21: {  	[bflag:$0x0] =	sbarrier.arrive $0xFFFF  }
0x22: {  	p0 =	sne.s32 s0, $0x0;
	_ =	strace $0x90000050  }
0x23: {  	s0 =	sadd.s32 @!p0 $0x100000, s1;
	[bflag:$0x2] =	sbarrier.arrive $0xFFFF  }
0x24: {  	[sflag:s0] =	ssyncadd.tile.s32 @!p0 $0x1;
	_ =	shalt  }
.Lfunc_end2:
_tile_overlayer_lowered:
.L_overlay_start_2:
0x25: {  	(tag) =	ssettag $0x2  }
0x26: {  	s0 =	rddreg [dreg:$0x0];
	s2 =	stileid.u32  }
0x27: {  	s1 =	rddreg [dreg:$0x1];
	p0 =	sne.s32 s2, $0x0  }
0x28: {  	s3 =	rddreg [dreg:$0x2];
	[bflag:$0x3] =	sbarrier.arrive $0xFFFF;
	s2 =	simm.s32 @!p0 $0x1C02  }
0x29: {  	[timem:s3], [sflag:s2] =	dma.local @!p0 [hbm:s0], s1  }
0x2a: {  	s0 =	simm.s32 @!p0 $0x2  }
0x2b: {  	_ =	swait.ge @!p0 [sflag:s0], s1  }
0x2c: {  	s1 =	ssub.s32 @!p0 $0x0, s1;
	[sflag:s0] =	ssyncset.done @!p0 $0x0  }
0x2d: {  	[sflag:s0] =	ssyncadd.s32 @!p0 s1  }
0x2e: {  	[bflag:$0x3] =	sbarrier.arrive $0xFFFF  }
0x2f: {  	_ =	shalt  }

// kernel: kernel.20.cloned.1.call-start
scs
__scs_entry_jumppad:
0x0: {  	(pc) =	sbr.rel $0x88, $3  }
0x1: {  	(tag) =	ssettag $0x0;
	lr =	simm.s32 $0x1  }
0x2: {  	[smem:$0x3F7B] =	sst lr;
	_ =	strace $0xD0000000  }
0x3: {  	_ = 	snop  }
0x4: {  	_ = 	snop  }
0x5: {  	_ = 	snop  }
0x6: {  	_ = 	snop  }
0x7: {  	_ = 	snop  }
__scs_overlays_trampoline_lowered:
0x8: {  	[smem:$0x3F8A] =	sst s0  }
0x9: {  	[smem:$0x3F8B] =	sst s1  }
0xa: {  	[smem:$0x3F8C] =	sst s2  }
0xb: {  	[smem:$0x3F8D] =	sst s3  }
0xc: {  	[smem:$0x3F8E] =	sst s4  }
0xd: {  	[smem:$0x3F8F] =	sst s5  }
0xe: {  	[smem:$0x3F90] =	sst s6  }
0xf: {  	[smem:$0x3F91] =	sst s7  }
0x10: {  	[smem:$0x3F92] =	sst s8  }
0x11: {  	[smem:$0x3F93] =	sst s9;
	s0 =	simm.s32 @!p0 $0x0  }
0x12: {  	s1 =	sld [smem:$0x3F79];
	s0 =	simm.s32 @p0 $0x1  }
0x13: {  	[smem:$0x3F94] =	sst s0;
	s0 =	simm.s32 @!p1 $0x0  }
0x14: {  	s2 =	sld [smem:$0x3F78];
	s0 =	simm.s32 @p1 $0x1  }
0x15: {  	[smem:$0x3F95] =	sst s0;
	s0 =	simm.s32 @!p2 $0x0  }
0x16: {  	s3 =	sld [smem:$0x3FDB];
	s0 =	simm.s32 @p2 $0x1  }
0x17: {  	s4 =	simm.s32 $0x1BF5;
	[smem:$0x3F97] =	sst s0  }
0x18: {  	s0 =	sld [smem:$0x3F7A];
	_ =	swait.ge [sflag:s4], $0x0  }
0x19: {  	s7 =	sld [smem:$0x3F7B]  }
0x1a: {  	s8 =	sadd.s32 $0xFFFFE003, lr  }
0x1b: {  	s9 =	sadd.s32 $0xFFFFFEF7, lr;
	s5 =	simm.s32 $0xFFFFFFFF;
	p2 =	slt.u32 s8, $0xFFFFF086  }
0x1c: {  	p1 =	slt.u32 s9, $0xF7A;
	s5 =	simm.s32 @!p2 $0x0  }
0x1d: {  	s5 =	simm.s32 @p1 $0x1;
	p0 =	seq.s32 s7, s2  }
0x1e: {  	s7 =	smul.u32 @!p0 $0xF7A, s2;
	p2 =	seq.s32 @!p0 s5, $0x0  }
0x1f: {  	s9 =	smul.u32 $0xF7A, s1;
	s8 =	simm.s32 @!p0 $0x1BF5;
	p2 =	por !p2, p0  }
0x20: {  	[sflag:s8] =	ssyncset.s32 @!p0 $0xFFFFF086;
	s6 =	sadd.s32 @!p0 s3, s7;
	s7 =	simm.s32 @!p0 $0x108  }
0x21: {  	s3 =	sadd.s32 s3, s9;
	s6 =	sadd.s32 @!p0 $0x88, s6;
	s7 =	simm.s32 @p2 $0x1082  }
0x22: {  	[simem:s7], [sflag:s8] =	dma.local @!p0 [hbm:s6], $0xF7A  }
0x23: {  	s9 =	sor.u32 $0xD0000000, s2;
	s6 =	simm.s32 $0x108;
	_ =	swait.ge @!p0 [sflag:s8], $0x0  }
0x24: {  	s3 =	sadd.s32 $0x88, s3;
	s6 =	simm.s32 @!p1 $0x1082;
	[sflag:s4] =	ssyncset.s32 $0xFFFFF086  }
0x25: {  	[simem:s6], [sflag:s4] =	dma.local [hbm:s3], $0xF7A  }
0x26: {  	[smem:$0x3F7B] =	sst s1;
	(tag) =	ssettag s2;
	_ =	strace s9  }
0x27: {  	s1 =	sld [smem:$0x3F8B]  }
0x28: {  	s2 =	sld [smem:$0x3F8C]  }
0x29: {  	s4 =	sld [smem:$0x3F8E]  }
0x2a: {  	p0 =	seq.s32 s5, $0x0;
	s5 =	sld [smem:$0x3F8F]  }
0x2b: {  	s6 =	sld [smem:$0x3F90]  }
0x2c: {  	s7 =	sld [smem:$0x3F91]  }
0x2d: {  	s3 =	simm.s32 $0x108;
	s8 =	sld [smem:$0x3F92]  }
0x2e: {  	s3 =	simm.s32 @!p0 $0x1082;
	s9 =	sld [smem:$0x3F93]  }
0x2f: {  	lr =	sadd.s32 s0, s3;
	s0 =	sld [smem:$0x3F8A]  }
0x30: {  	s3 =	sld [smem:$0x3F8D]  }
0x31: {  	[smem:$0x3F96] =	sst s10  }
0x32: {  	s10 =	sld [smem:$0x3F94];
	_ =	sdelay $0x3  }
0x33: {  	p0 =	seq.s32 s10, $0x1;
	s10 =	sld [smem:$0x3F96];
	_ =	sdelay $0x3  }
0x34: {  	[smem:$0x3F96] =	sst s10  }
0x35: {  	s10 =	sld [smem:$0x3F95];
	_ =	sdelay $0x3  }
0x36: {  	p1 =	seq.s32 s10, $0x1;
	s10 =	sld [smem:$0x3F96];
	_ =	sdelay $0x3  }
0x37: {  	[smem:$0x3F96] =	sst s10  }
0x38: {  	s10 =	sld [smem:$0x3F97]  }
0x39: {  	_ = 	snop;
	(pc) =	sbr.ind lr, $3  }
0x3a: {  	_ = 	snop  }
0x3b: {  	_ = 	snop  }
0x3c: {  	p2 =	seq.s32 s10, $0x1;
	s10 =	sld [smem:$0x3F96]  }
0x3d: {  	_ =	shalt  }
0x3e: {  	_ =	shalt  }
0x3f: {  	_ =	shalt  }
0x40: {  	_ =	shalt  }
0x41: {  	_ =	shalt  }
0x42: {  	_ =	shalt  }
0x43: {  	_ =	shalt  }
0x44: {  	_ =	shalt  }
0x45: {  	_ =	shalt  }
0x46: {  	_ =	shalt  }
0x47: {  	_ =	shalt  }
0x48: {  	_ =	shalt  }
0x49: {  	_ =	shalt  }
0x4a: {  	_ =	shalt  }
0x4b: {  	_ =	shalt  }
0x4c: {  	_ =	shalt  }
0x4d: {  	_ =	shalt  }
0x4e: {  	_ =	shalt  }
0x4f: {  	_ =	shalt  }
0x50: {  	_ =	shalt  }
0x51: {  	_ =	shalt  }
0x52: {  	_ =	shalt  }
0x53: {  	_ =	shalt  }
0x54: {  	_ =	shalt  }
0x55: {  	_ =	shalt  }
0x56: {  	_ =	shalt  }
0x57: {  	_ =	shalt  }
0x58: {  	_ =	shalt  }
0x59: {  	_ =	shalt  }
0x5a: {  	_ =	shalt  }
0x5b: {  	_ =	shalt  }
0x5c: {  	_ =	shalt  }
0x5d: {  	_ =	shalt  }
0x5e: {  	_ =	shalt  }
0x5f: {  	_ =	shalt  }
0x60: {  	_ =	shalt  }
0x61: {  	_ =	shalt  }
0x62: {  	_ =	shalt  }
0x63: {  	_ =	shalt  }
0x64: {  	_ =	shalt  }
0x65: {  	_ =	shalt  }
0x66: {  	_ =	shalt  }
0x67: {  	_ =	shalt  }
0x68: {  	_ =	shalt  }
0x69: {  	_ =	shalt  }
0x6a: {  	_ =	shalt  }
0x6b: {  	_ =	shalt  }
0x6c: {  	_ =	shalt  }
0x6d: {  	_ =	shalt  }
0x6e: {  	_ =	shalt  }
0x6f: {  	_ =	shalt  }
0x70: {  	_ =	shalt  }
0x71: {  	_ =	shalt  }
0x72: {  	_ =	shalt  }
0x73: {  	_ =	shalt  }
0x74: {  	_ =	shalt  }
0x75: {  	_ =	shalt  }
0x76: {  	_ =	shalt  }
0x77: {  	_ =	shalt  }
0x78: {  	_ =	shalt  }
0x79: {  	_ =	shalt  }
0x7a: {  	_ =	shalt  }
0x7b: {  	_ =	shalt  }
0x7c: {  	_ =	shalt  }
0x7d: {  	_ =	shalt  }
0x7e: {  	_ =	shalt  }
0x7f: {  	_ =	shalt  }
0x80: {  	_ =	shalt  }
0x81: {  	_ =	shalt  }
0x82: {  	_ =	shalt  }
0x83: {  	_ =	shalt  }
0x84: {  	_ =	shalt  }
0x85: {  	_ =	shalt  }
0x86: {  	_ =	shalt  }
0x87: {  	_ =	shalt  }
.Lfunc_end0:
.L_simem_size_0:
called_computation.4_lowered:
.L_overlay_start_0:
0x88: {  	s2 =	sld [smem:$0x3FD9]  }
0x89: {  	s3 =	sld [smem:$0x3FFE];
	_ =	sdelay $0x1  }
0x8a: {  	s1 =	srdreg.scid  }
0x8b: {  	s0 =	sand.u32 $0x1, s1  }
0x8c: {  	s16 =	sshll.u32 s0, $0xA;
	s2 =	sadd.s32 s3, s2  }
0x8d: {  	s2 =	sadd.s32 s2, s16  }
0x8e: {  	[smem:$0x3FA2] =	sst s2  }
0x8f: {  	_ = 	snop  }
0x90: {  	(tm) =	ssettm $0x1  }
0x91: {  	s17 =	sld [smem:$0x3FFB];
	_ =	sdelay $0x3  }
0x92: {  	_ =	strace s17  }
0x93: {  	s2 =	sld [smem:$0x3FFC];
	_ =	sdelay $0x3  }
0x94: {  	_ =	strace s2  }
0x95: {  	s2 =	sld [smem:$0x3FFD];
	_ =	sdelay $0x3  }
0x96: {  	_ =	strace s2  }
0x97: {  	_ =	strace $0x8FFFFFFF  }
0x98: {  	s18 =	sld [smem:$0x3FDB];
	_ =	sdelay $0x1  }
0x99: {  	s19 =	simm.s32 $_scs_section_size  }
0x9a: {  	s4 =	simm.s32 $_size__tile_overlayer_lowered;
	s5 =	simm.s32 $_tile_overlayer_lowered  }
0x9b: {  	s22 =	simm.s32 $0x1BFF;
	s21 =	sshll.u32 s5, $0x1;
	s2 =	sadd.s32 s19, s18  }
0x9c: {  	s6 =	simm.s32 $0x0;
	s20 =	sshll.u32 s4, $0x1;
	s4 =	sadd.s32 s21, s2  }
0x9d: {  	[timem:s6], [sflag:s22] =	dma.local [hbm:s4], s20  }
0x9e: {  	_ =	swait.ge [sflag:s22], s20  }
0x9f: {  	s3 =	ssub.s32 $0x0, s20;
	[sflag:s22] =	ssyncset.done $0x0  }
0xa0: {  	[sflag:s22] =	ssyncadd.s32 s3;
	_ =	sdelay $0x1  }
0xa1: {  	s23 =	simm.s32 $0x1B8B  }
0xa2: {  	_ =	swait.ge [sflag:s23], $0x1  }
0xa3: {  	[sflag:s23] =	ssyncset.done $0x0  }
0xa4: {  	s25 =	simm.s32 $0x1B8E;
	s24 =	sld [smem:$0x3FFE];
	[sflag:s23] =	ssyncadd.s32 $0xFFFFFFFF  }
0xa5: {  	s26 =	simm.s32 $execute0_lowered;
	[smem:$0x3FD2] =	sst s25  }
0xa6: {  	s4 =	sshll.u32 s26, $0x1;
	_ =	strace $0x80000052;
	[dreg:$0x1] =	wrdreg $0xFFFFFFFF  }
0xa7: {  	s28 =	simm.s32 $_size_execute0_lowered;
	s2 =	sadd.s32 s2, s4;
	[dreg:$0x0] =	wrdreg $0x0  }
0xa8: {  	s4 =	sshll.u32 s28, $0x1;
	[dreg:$0x2] =	wrdreg s2  }
0xa9: {  	[dreg:$0x3] =	wrdreg s4  }
0xaa: {  	[dreg:$0x4] =	wrdreg $0xC0  }
0xab: {  	_ =	task [dreg:s6], $0x5FFFF  }
0xac: {  	[dreg:$0x1] =	wrdreg $0xFFFFFFFF  }
0xad: {  	[dreg:$0x0] =	wrdreg $0x60  }
0xae: {  	[dreg:$0x2] =	wrdreg s24  }
0xaf: {  	[dreg:$0x3] =	wrdreg $0x9  }
0xb0: {  	_ =	task.clear_ibuf [dreg:s6], $0x4FFFF;
	_ =	strace $0x90000052  }
0xb1: {  	s29 =	simm.s32 $0x9;
	_ =	strace $0x80000054  }
0xb2: {  	_ =	swait.ge [sflag:s29], $0x1  }
0xb3: {  	[sflag:s29] =	ssyncadd.s32 $0xFFFFFFFF  }
0xb4: {  	_ =	strace $0x90000054  }
0xb5: {  	_ =	sfence  }
0xb6: {  	s30 =	sld [smem:$0x0];
	_ =	sdelay $0x2  }
0xb7: {  	s31 =	sshll.u32 s1, $0xD;
	s1 =	sshrl.u32 s1, $0x2  }
0xb8: {  	s3 =	sand.u32 $0x4000, s31;
	s1 =	sadd.s32 s1, s30  }
0xb9: {  	s0 =	sor.u32 s3, s0;
	s1 =	sshll.u32 s1, $0x11  }
0xba: {  	s0 =	sor.u32 s1, s0  }
0xbb: {  	s0 =	sadd.s32 $0x8F2B, s0  }
0xbc: {  	[sflag:s0] =	ssyncadd.remote.s32 $0x1  }
0xbd: {  	_ =	sfence.sel $0xFFFF  }
0xbe: {  	[dreg:$0x0] =	wrdreg $0xFFFFFFFF;
	(pc) =	sbr.abs _section_cstart, $3  }
0xbf: {  	[dreg:$0x1] =	wrdreg $0xFFFFFFFF  }
0xc0: {  	_ =	task.clear_ibuf [dreg:s6], $0x2FFFF;
	_ =	strace $0x9FFFFFFF  }
0xc1: {  	(tm) =	ssettm $0x7FFFFFFF  }
tec
execute0_lowered:
.L_overlay_start_1:
0x0: {  	(tag) =	ssettag $0x1  }
0x1: {  	s4 =	rddreg [dreg:$0x0]  }
0x2: {  	s0 =	rddreg [dreg:$0x1];
	s2 =	simm.s32 $0x0;
	s5 =	srdreg.scid  }
0x3: {  	s1 =	stileid.u32;
	s10 =	simm.s32 $0x0;
	[smem:$0x7FF] =	sst s2  }
0x4: {  	s3 =	sadd.s32 $0x7A00, s4;
	s5 =	sand.u32 $0x1, s5;
	s6 =	sshll.u32 s1, $0xD  }
0x5: {  	s8 =	smul.u32 $0x24000, s1;
	_ =	strace $0x80000053;
	s7 =	sshll.u32 s5, $0xC  }
0x6: {  	s9 =	ssub.s32 $0x2, s5;
	s5 =	smul.u32 $0x12000, s5;
	s6 =	sor.u32 s7, s6  }
0x7: {  	s30 =	sshrl.u32 s9, $0x1;
	s8 =	sadd.s32 s8, s4;
	s6 =	sshrl.u32 s6, $0x3  }
0x8: {  	s7 =	ssub.s32 s9, s30;
	s31 =	sadd.s32 s5, s8;
	s8 =	simm.s32 $0x200  }
0x9: {  	s9 =	simm.s32 $0x1;
	s6 =	sadd.s32 s6, s4;
	s4 =	smax.u32 s7, $0x1  }
0xa: {  	s7 =	simm.s32 $0x2;
	s5 =	sadd.s32 $0x33A00, s6;
	s6 =	sadd.s32 $0x37A00, s31  }
.LBB2_1:
0xb: {  	s11 =	sadd.s32 $0x0, s5  }
0xc: {  	[tilespmem:s2], [sflag:$0x2] =	stream.linear.gather [hbm4b:s11+s2], $0x200, $0x38;
	[tilespmem:$0x12200] =	vst v63  }
0xd: {  	_ =	swait.ge [sflag:s7], $0x200  }
0xe: {  	[sflag:s7] =	ssyncset.done $0x0  }
0xf: {  	[sflag:s7] =	ssyncadd.s32 $0xFFFFFE00  }
0x10: {  	[tilespmem:s8], [sflag:$0x1] =	stream.indirect.gather [hbm4b:s3+s8], $0x90, s2, s8, $0xb8;
	[tilespmem:$0x12200] =	vst v63  }
0x11: {  	_ =	swait.ge [sflag:s9], $0x12000  }
0x12: {  	[sflag:s9] =	ssyncset.done $0x0  }
0x13: {  	[sflag:s9] =	ssyncadd.s32 $0xFFFEE000  }
0x14: {  	[hbm4b:s6+s2] =	stream.linear.scatter [tilespmem:s8], [sflag:$0x2], $0x12000, $0x38;
	[tilespmem:$0x12200] =	vst v63  }
0x15: {  	s12 =	simm.s32 $0x40;
	_ =	swait.ge [sflag:s7], $0x12000  }
0x16: {  	s13 =	simm.s32 $0x80;
	s11 =	sadd.s32 $0x2400, s6;
	[sflag:s7] =	ssyncset.done $0x0  }
.LBB2_2:
0x17: {  	s14 =	sadd.s32 s12, s5  }
0x18: {  	[sflag:s7] =	ssyncadd.s32 $0xFFFEE000;
	s12 =	smov.u32 s13;
	s15 =	sadd.s32 $0x40, s13  }
0x19: {  	[tilespmem:s2], [sflag:$0x2] =	stream.linear.gather [hbm4b:s14+s2], $0x200, $0x38;
	[tilespmem:$0x12200] =	vst v63  }
0x1a: {  	p0 =	sne.s32 s13, $0x1C0;
	_ =	swait.ge [sflag:s7], $0x200  }
0x1b: {  	[sflag:s7] =	ssyncset.done $0x0  }
0x1c: {  	[sflag:s7] =	ssyncadd.s32 $0xFFFFFE00  }
0x1d: {  	[tilespmem:s8], [sflag:$0x1] =	stream.indirect.gather [hbm4b:s3+s8], $0x90, s2, s8, $0xb8;
	[tilespmem:$0x12200] =	vst v63  }
0x1e: {  	_ =	swait.ge [sflag:s9], $0x12000  }
.Ltmp0:
0x1f: {  	[sflag:s9] =	ssyncset.done $0x0;
	(pc) =	sbr.rel @p0 .LBB2_2-.Ltmp0, $4  }
0x20: {  	[sflag:s9] =	ssyncadd.s32 $0xFFFEE000  }
0x21: {  	[hbm4b:s11+s2] =	stream.linear.scatter [tilespmem:s8], [sflag:$0x2], $0x12000, $0x38;
	[tilespmem:$0x12200] =	vst v63  }
0x22: {  	_ =	swait.ge [sflag:s7], $0x12000  }
0x23: {  	s13 =	smov.u32 s15;
	s11 =	sadd.s32 $0x2400, s11;
	[sflag:s7] =	ssyncset.done $0x0  }
0x24: {  	s12 =	sadd.s32 s12, s5;
	[sflag:s7] =	ssyncadd.s32 $0xFFFEE000  }
0x25: {  	[tilespmem:s2], [sflag:$0x2] =	stream.linear.gather [hbm4b:s12+s2], $0x200, $0x38;
	[tilespmem:$0x12200] =	vst v63  }
0x26: {  	_ =	swait.ge [sflag:s7], $0x200  }
0x27: {  	[sflag:s7] =	ssyncset.done $0x0  }
0x28: {  	[sflag:s7] =	ssyncadd.s32 $0xFFFFFE00  }
0x29: {  	[tilespmem:s8], [sflag:$0x1] =	stream.indirect.gather [hbm4b:s3+s8], $0x90, s2, s8, $0xb8;
	[tilespmem:$0x12200] =	vst v63  }
0x2a: {  	s10 =	sadd.s32 $0x1, s10;
	_ =	swait.ge [sflag:s9], $0x12000  }
0x2b: {  	p0 =	sne.s32 s10, s4;
	[sflag:s9] =	ssyncset.done $0x0  }
.Ltmp1:
0x2c: {  	[sflag:s9] =	ssyncadd.s32 $0xFFFEE000;
	(pc) =	sbr.rel @p0 .LBB2_1-.Ltmp1, $4  }
0x2d: {  	[hbm4b:s11+s2] =	stream.linear.scatter [tilespmem:s8], [sflag:$0x2], $0x12000, $0x38;
	[tilespmem:$0x12200] =	vst v63  }
0x2e: {  	_ =	swait.ge [sflag:s7], $0x12000  }
0x2f: {  	[sflag:s7] =	ssyncset.done $0x0  }
0x30: {  	[sflag:s7] =	ssyncadd.s32 $0xFFFEE000  }
0x31: {  	_ =	sfence.sel $0x180000  }
0x32: {  	[bflag:$0x0] =	sbarrier.arrive $0xFFFF  }
0x33: {  	p0 =	sne.s32 s1, $0x0;
	_ =	strace $0x90000053  }
0x34: {  	s0 =	sadd.s32 @!p0 $0x100000, s0;
	[bflag:$0x2] =	sbarrier.arrive $0xFFFF  }
0x35: {  	[sflag:s0] =	ssyncadd.tile.s32 @!p0 $0x1;
	_ =	shalt  }
.Lfunc_end2:
_tile_overlayer_lowered:
.L_overlay_start_2:
0x36: {  	(tag) =	ssettag $0x2  }
0x37: {  	s0 =	rddreg [dreg:$0x0];
	s2 =	stileid.u32  }
0x38: {  	s1 =	rddreg [dreg:$0x1];
	p0 =	sne.s32 s2, $0x0  }
0x39: {  	s3 =	rddreg [dreg:$0x2];
	[bflag:$0x3] =	sbarrier.arrive $0xFFFF;
	s2 =	simm.s32 @!p0 $0x1C02  }
0x3a: {  	[timem:s3], [sflag:s2] =	dma.local @!p0 [hbm:s0], s1  }
0x3b: {  	s0 =	simm.s32 @!p0 $0x2  }
0x3c: {  	_ =	swait.ge @!p0 [sflag:s0], s1  }
0x3d: {  	s1 =	ssub.s32 @!p0 $0x0, s1;
	[sflag:s0] =	ssyncset.done @!p0 $0x0  }
0x3e: {  	[sflag:s0] =	ssyncadd.s32 @!p0 s1  }
0x3f: {  	[bflag:$0x3] =	sbarrier.arrive $0xFFFF  }
0x40: {  	_ =	shalt  }

// kernel: sparse-core-data-format-call.cloned.1.call-start
scs
called_computation_lowered:
.L_overlay_start_0:
0x0: {  	s1 =	sld [smem:$0x3FD9]  }
0x1: {  	s2 =	sld [smem:$0x3FFE];
	_ =	sdelay $0x1  }
0x2: {  	s3 =	srdreg.scid  }
0x3: {  	s0 =	sand.u32 $0x1, s3  }
0x4: {  	s17 =	sshll.u32 s0, $0xA;
	s1 =	sadd.s32 s2, s1  }
0x5: {  	s1 =	sadd.s32 s1, s17  }
0x6: {  	[smem:$0x3FA2] =	sst s1  }
0x7: {  	_ = 	snop  }
0x8: {  	(tm) =	ssettm $0x1  }
0x9: {  	s18 =	sld [smem:$0x3FFB];
	_ =	sdelay $0x3  }
0xa: {  	_ =	strace s18  }
0xb: {  	s1 =	sld [smem:$0x3FFC];
	_ =	sdelay $0x3  }
0xc: {  	_ =	strace s1  }
0xd: {  	s1 =	sld [smem:$0x3FFD];
	_ =	sdelay $0x3  }
0xe: {  	_ =	strace s1  }
0xf: {  	_ =	strace $0x8FFFFFFF  }
0x10: {  	s19 =	sld [smem:$0x3FDB];
	_ =	sdelay $0x1  }
0x11: {  	s20 =	simm.s32 $_scs_section_size  }
0x12: {  	s4 =	simm.s32 $_size__tile_overlayer_lowered;
	s5 =	simm.s32 $_tile_overlayer_lowered  }
0x13: {  	s23 =	simm.s32 $0x1BFF;
	s22 =	sshll.u32 s5, $0x1;
	s1 =	sadd.s32 s20, s19  }
0x14: {  	s6 =	simm.s32 $0x0;
	s21 =	sshll.u32 s4, $0x1;
	s4 =	sadd.s32 s22, s1  }
0x15: {  	[timem:s6], [sflag:s23] =	dma.local [hbm:s4], s21  }
0x16: {  	_ =	swait.ge [sflag:s23], s21  }
0x17: {  	s2 =	ssub.s32 $0x0, s21;
	[sflag:s23] =	ssyncset.done $0x0  }
0x18: {  	[sflag:s23] =	ssyncadd.s32 s2;
	_ =	sdelay $0x1  }
0x19: {  	s24 =	simm.s32 $0x1B8B  }
0x1a: {  	_ =	swait.ge [sflag:s24], $0x1  }
0x1b: {  	[sflag:s24] =	ssyncset.done $0x0  }
0x1c: {  	s26 =	simm.s32 $0x1B8E;
	s25 =	sld [smem:$0x3FFE];
	[sflag:s24] =	ssyncadd.s32 $0xFFFFFFFF  }
0x1d: {  	s27 =	simm.s32 $execute0_lowered;
	[smem:$0x3FD2] =	sst s26  }
0x1e: {  	s4 =	sshll.u32 s27, $0x1;
	_ =	strace $0x80000049;
	[dreg:$0x1] =	wrdreg $0xFFFFFFFF  }
0x1f: {  	s28 =	simm.s32 $_size_execute0_lowered;
	s1 =	sadd.s32 s1, s4;
	[dreg:$0x0] =	wrdreg $0x0  }
0x20: {  	s4 =	sshll.u32 s28, $0x1;
	[dreg:$0x2] =	wrdreg s1  }
0x21: {  	[dreg:$0x3] =	wrdreg s4  }
0x22: {  	[dreg:$0x4] =	wrdreg $0xC0  }
0x23: {  	_ =	task [dreg:s6], $0x5FFFF  }
0x24: {  	[dreg:$0x1] =	wrdreg $0xFFFFFFFF  }
0x25: {  	[dreg:$0x0] =	wrdreg $0x60  }
0x26: {  	[dreg:$0x2] =	wrdreg s25  }
0x27: {  	[dreg:$0x3] =	wrdreg $0x9  }
0x28: {  	_ =	task.clear_ibuf [dreg:s6], $0x4FFFF;
	_ =	strace $0x90000049  }
0x29: {  	s29 =	simm.s32 $0x9;
	_ =	strace $0x8000004B  }
0x2a: {  	_ =	swait.ge [sflag:s29], $0x1  }
0x2b: {  	[sflag:s29] =	ssyncadd.s32 $0xFFFFFFFF  }
0x2c: {  	_ =	strace $0x9000004B  }
0x2d: {  	_ =	sfence  }
0x2e: {  	s30 =	sld [smem:$0x0];
	_ =	sdelay $0x2  }
0x2f: {  	s31 =	sshll.u32 s3, $0xD;
	s3 =	sshrl.u32 s3, $0x2  }
0x30: {  	s2 =	sand.u32 $0x4000, s31;
	s1 =	sadd.s32 s3, s30  }
0x31: {  	s0 =	sor.u32 s2, s0;
	s1 =	sshll.u32 s1, $0x11  }
0x32: {  	s0 =	sor.u32 s1, s0  }
0x33: {  	s0 =	sadd.s32 $0x8F2B, s0  }
0x34: {  	[sflag:s0] =	ssyncadd.remote.s32 $0x1  }
0x35: {  	_ =	sfence.sel $0xFFFF  }
0x36: {  	[dreg:$0x0] =	wrdreg $0xFFFFFFFF;
	(pc) =	sbr.abs _section_cstart, $3  }
0x37: {  	[dreg:$0x1] =	wrdreg $0xFFFFFFFF  }
0x38: {  	_ =	task.clear_ibuf [dreg:s6], $0x2FFFF;
	_ =	strace $0x9FFFFFFF  }
0x39: {  	(tm) =	ssettm $0x7FFFFFFF  }
tec
execute0_lowered:
.L_overlay_start_1:
0x0: {  	(tag) =	ssettag $0x1  }
0x1: {  	s0 =	srdreg.scid;
	s3 =	rddreg [dreg:$0x0];
	s5 =	simm.s32 $0x1  }
0x2: {  	s7 =	simm.s32 $0x2;
	s15 =	simm.s32 $0x0;
	p0 =	por $0x0, $0x0  }
0x3: {  	s8 =	simm.s32 $0x1000;
	s13 =	simm.s32 $0x0;
	s1 =	sshll.u32 s0, $0x7  }
0x4: {  	s14 =	simm.s32 $0x0;
	s9 =	simm.s32 $0x0;
	s1 =	sand.u32 $0x80, s1  }
0x5: {  	s0 =	rddreg [dreg:$0x1];
	_ =	strace $0x8000004A;
	s6 =	ssub.s32 $0x200, s1  }
.Ltmp0:
0x6: {  	s2 =	sadd.s32 $0x48E00, s3;
	s31 =	sshrl.u32 s6, $0x7;
	(pc) =	sbr.rel .LBB1_1-.Ltmp0, $4  }
0x7: {  	s4 =	sadd.s32 $0x448E00, s3;
	s6 =	sshrl.u32 s6, $0x8;
	s3 =	sand.u32 $0x1, s31  }
0x8: {  	s11 =	stileid.u32;
	[sflag:s5] =	ssyncpa.u1 $0x0;
	s6 =	sadd.s32 s6, s3  }
0x9: {  	s12 =	simm.s32 $0x0;
	[sflag:s7] =	ssyncpa.u1 $0x0;
	s6 =	sshll.u32 s6, $0x5  }
0xa: {  	s10 =	smov.u32 s1;
	s3 =	stileid.u32;
	s7 =	sor.u32 $0x1, s6  }
.LBB1_4:
0xb: {  	v5 =	vld [tilespmem:s18+$0xFFFFFFD0]  }
0xc: {  	[tilespmem:s19+$0x2040 ss:$0x81] =	vst.msk $0xffff, v1;
	v58 =	vld [tilespmem:s18+$0xFFFFFFE0]  }
0xd: {  	[tilespmem:s19+$0x2850 ss:$0x81] =	vst.msk $0xffff, v2;
	v59 =	vld [tilespmem:s18+$0xFFFFFFF0]  }
0xe: {  	s20 =	sshra.s32 s20, $0x2;
	[tilespmem:s19+$0x3060 ss:$0x81] =	vst.msk $0xffff, v3;
	v60 =	vld [tilespmem:s18+$0x0]  }
0xf: {  	[tilespmem:s19+$0x0 ss:$0x81] =	vst.msk $0xffff, v0;
	v61 =	vld [tilespmem:s18+$0x10];
	s17 =	sadd.s32 s20, s17  }
0x10: {  	s25 =	sshll.u32 s15, $0x9;
	v62 =	vld [tilespmem:s18+$0x20];
	[tilespmem:s17+$0x3870 ss:$0x81] =	vst.msk $0xffff, v4  }
0x11: {  	s26 =	sshll.u32 s13, $0x3;
	s27 =	sshll.u32 s15, $0x7;
	v63 =	vld [tilespmem:s18+$0xFFFFFFC0];
	s30 =	sand.u32 $0x78, s13;
	[tilespmem:s17+$0x810 ss:$0x81] =	vst.msk $0xffff, v5  }
0x12: {  	s14 =	sshll.u32 s14, $0x12;
	s19 =	sand.u32 $0x1FF000, s25;
	s20 =	sand.u32 $0x1FFC00, s26;
	[tilespmem:s17+$0x1020 ss:$0x81] =	vst.msk $0xffff, v58  }
0x13: {  	s29 =	sand.u32 $0x200, s27;
	s15 =	sand.u32 $0x180, s27;
	s28 =	sadd.s32 s20, s19;
	[tilespmem:s17+$0x1830 ss:$0x81] =	vst.msk $0xffff, v59  }
0x14: {  	s31 =	sand.u32 $0x7, s13;
	s15 =	sor.u32 s30, s15;
	s18 =	sor.u32 s29, s28;
	[tilespmem:s17+$0x2040 ss:$0x81] =	vst.msk $0xffff, v60  }
0x15: {  	s14 =	sadd.s32 s4, s14;
	s15 =	sshrl.u32 s15, $0x3;
	s18 =	sshrl.u32 s18, $0x3;
	[tilespmem:s17+$0x2850 ss:$0x81] =	vst.msk $0xffff, v61  }
0x16: {  	s13 =	sshll.u32 s31, $0x12;
	s14 =	sadd.s32 s15, s14;
	[tilespmem:s17+$0x3060 ss:$0x81] =	vst.msk $0xffff, v62;
	s18 =	sand.u32 $0x3FFC0, s18  }
0x17: {  	s13 =	sor.u32 $0x400, s13;
	[tilespmem:s17+$0x0 ss:$0x81] =	vst.msk $0xffff, v63;
	s14 =	sadd.s32 s18, s14  }
0x18: {  	[hbm4b:s14+s13] =	stream.strided.scatter [tilespmem:s16], [sflag:$0x2], $0x4000, s8, s13, $0x20;
	[tilespmem:$0x10100] =	vst v63  }
.LBB1_5:
0x19: {  	s16 =	sadd.s32 $0x80, s9  }
0x1a: {  	s13 =	sadd.s32 $0x100, s10;
	s17 =	smov.u32 s10;
	p2 =	sgt.s32 s16, $0xFFF  }
0x1b: {  	s17 =	smov.u32 @p2 s13  }
0x1c: {  	s19 =	smov.u32 s11;
	s13 =	sadd.s32 $0x10, s11;
	p3 =	sgt.s32 s17, $0x1FF  }
0x1d: {  	s19 =	smov.u32 @p3 s13  }
0x1e: {  	s16 =	simm.s32 @p2 $0x0;
	p2 =	sgt.s32 s19, $0xF  }
0x1f: {  	p1 =	slt.u32 s12, $0x2;
	s19 =	smov.u32 @p2 s3;
	p2 =	sne.s32 s12, s7  }
.Ltmp1:
0x20: {  	s18 =	simm.s32 @!p1 $0x2;
	(pc) =	sbr.rel @!p2 .LBB1_6-.Ltmp1, $4  }
0x21: {  	s15 =	smov.u32 s9;
	s14 =	smov.u32 s11;
	_ =	swait.ge @!p1 [sflag:s18], $0x4000  }
0x22: {  	p0 =	por !p0, !p0;
	[sflag:s18] =	ssyncset.done @!p1 $0x0;
	s9 =	smov.u32 s16  }
0x23: {  	s17 =	smov.u32 @p3 s1;
	s13 =	smov.u32 s10;
	[sflag:s18] =	ssyncadd.s32 @!p1 $0xFFFFC000  }
0x24: {  	s10 =	smov.u32 s17;
	s12 =	sadd.s32 $0x1, s12;
	s11 =	smov.u32 s19  }
.LBB1_1:
0x25: {  	p1 =	sge.u32 s12, s6;
	s31 =	sadd.s32 $0xFFFFFFFF, s12  }
0x26: {  	s16 =	sxor.u32 @!p1 $0xFFFFFFFF, s12;
	s17 =	sand.u32 @!p1 $0x78, s9;
	s18 =	sshll.u32 @!p1 s10, $0xC  }
0x27: {  	s19 =	sshll.u32 @!p1 s10, $0x7;
	s20 =	sshll.u32 @!p1 s9, $0x3;
	s16 =	sshll.u32 @!p1 s16, $0xE  }
0x28: {  	s18 =	sand.u32 @!p1 $0x1F8000, s18;
	s19 =	sand.u32 @!p1 $0x380, s19;
	s16 =	sand.u32 @!p1 $0x4000, s16  }
0x29: {  	s18 =	sadd.s32 @!p1 s18, s20;
	s20 =	sand.u32 @!p1 $0xC00, s20;
	s17 =	sor.u32 @!p1 s19, s17  }
0x2a: {  	s19 =	sshll.u32 @!p1 s11, $0x12;
	s17 =	sor.u32 @!p1 s20, s17;
	s18 =	sshrl.u32 @!p1 s18, $0x3  }
0x2b: {  	s19 =	sadd.s32 @!p1 s2, s19;
	s20 =	sand.u32 @!p1 $0x7, s9;
	s18 =	sand.u32 @!p1 $0x3FE00, s18  }
0x2c: {  	s17 =	sshrl.u32 @!p1 s17, $0x3;
	s18 =	sadd.s32 @!p1 s18, s19;
	s19 =	sshll.u32 @!p1 s20, $0x12  }
0x2d: {  	s17 =	sadd.s32 @!p1 s17, s18;
	s18 =	sor.u32 @!p1 $0x400, s19;
	s19 =	simm.s32 @!p1 $0x8000  }
0x2e: {  	[tilespmem:s16], [sflag:$0x1] =	stream.strided.gather @!p1 [hbm4b:s17+s18], $0x4000, s19, s18, $0x38;
	[tilespmem:$0x10100] =	vst v63  }
0x2f: {  	p1 =	sge.u32 s31, s6  }
.Ltmp2:
0x30: {  	_ = 	snop;
	(pc) =	sbr.rel @p1 .LBB1_5-.Ltmp2, $1  }
0x31: {  	_ =	sdelay $0x3  }
0x32: {  	s16 =	simm.s32 $0x1  }
0x33: {  	_ =	swait.ge [sflag:s5], $0x4000;
	s16 =	simm.s32 @!p0 $0x0  }
0x34: {  	[sflag:s5] =	ssyncset.done $0x0;
	s17 =	sshll.u32 s16, $0xE  }
0x35: {  	[sflag:s5] =	ssyncadd.s32 $0xFFFFC000;
	s18 =	sor.u32 $0x40, s17  }
0x36: {  	s16 =	smul.u32 $0x10200, s16;
	v0 =	vld [tilespmem:s18+$0x30]  }
0x37: {  	v3 =	vld [tilespmem:s18+$0xFFFFFFD0]  }
0x38: {  	s16 =	sshrl.u32 s16, $0x2;
	v4 =	vld [tilespmem:s18+$0xFFFFFFE0]  }
0x39: {  	v5 =	vld [tilespmem:s18+$0xFFFFFFF0];
	s17 =	sor.u32 $0x8000, s16  }
0x3a: {  	s31 =	sand.u32 $0x1, s12;
	v1 =	vld [tilespmem:s18+$0x0];
	s19 =	sadd.s32 $0x0, s17  }
0x3b: {  	v2 =	vld [tilespmem:s18+$0x10];
	s16 =	smul.u32 $0x10200, s31;
	[tilespmem:s19+$0x3870 ss:$0x81] =	vst.msk $0xffff, v0  }
0x3c: {  	[tilespmem:s19+$0x810 ss:$0x81] =	vst.msk $0xffff, v3;
	v3 =	vld [tilespmem:s18+$0x20]  }
0x3d: {  	s16 =	sshrl.u32 s16, $0x2;
	v0 =	vld [tilespmem:s18+$0xFFFFFFC0];
	[tilespmem:s19+$0x1020 ss:$0x81] =	vst.msk $0xffff, v4;
	s18 =	sadd.s32 $0x80, s18  }
0x3e: {  	s20 =	simm.s32 $0x4;
	s21 =	simm.s32 $0x8;
	s16 =	sor.u32 $0x8000, s16;
	[tilespmem:s19+$0x1830 ss:$0x81] =	vst.msk $0xffff, v5;
	v4 =	vld [tilespmem:s18+$0x30]  }
.LBB1_3:
0x3f: {  	p1 =	sne.s32 s21, $0x1FC;
	v5 =	vld [tilespmem:s18+$0xFFFFFFD0];
	[tilespmem:s19+$0x2040 ss:$0x81] =	vst.msk $0xffff, v1  }
0x40: {  	v6 =	vld [tilespmem:s18+$0xFFFFFFE0];
	[tilespmem:s19+$0x2850 ss:$0x81] =	vst.msk $0xffff, v2  }
0x41: {  	s22 =	sshra.s32 s20, $0x2;
	s20 =	smov.u32 s21;
	v7 =	vld [tilespmem:s18+$0xFFFFFFF0];
	[tilespmem:s19+$0x3060 ss:$0x81] =	vst.msk $0xffff, v3  }
.Ltmp3:
0x42: {  	v1 =	vld [tilespmem:s18+$0x0];
	[tilespmem:s19+$0x0 ss:$0x81] =	vst.msk $0xffff, v0;
	s19 =	sadd.s32 s22, s17;
	(pc) =	sbr.rel @p1 .LBB1_3-.Ltmp3, $4  }
0x43: {  	v2 =	vld [tilespmem:s18+$0x10];
	[tilespmem:s19+$0x3870 ss:$0x81] =	vst.msk $0xffff, v4  }
0x44: {  	[tilespmem:s19+$0x810 ss:$0x81] =	vst.msk $0xffff, v5;
	v3 =	vld [tilespmem:s18+$0x20]  }
0x45: {  	v0 =	vld [tilespmem:s18+$0xFFFFFFC0];
	[tilespmem:s19+$0x1020 ss:$0x81] =	vst.msk $0xffff, v6;
	s18 =	sadd.s32 $0x80, s18  }
0x46: {  	s21 =	sadd.s32 $0x4, s21;
	v4 =	vld [tilespmem:s18+$0x30];
	[tilespmem:s19+$0x1830 ss:$0x81] =	vst.msk $0xffff, v7  }
.Ltmp4:
0x47: {  	_ = 	snop;
	(pc) =	sbr.rel .LBB1_4-.Ltmp4, $1  }
0x48: {  	_ =	sdelay $0x3  }
.LBB1_6:
0x49: {  	_ =	sfence.sel $0x180000  }
0x4a: {  	s1 =	simm.s32 $0x1;
	[bflag:$0x0] =	sbarrier.arrive $0xFFFF  }
0x4b: {  	s31 =	simm.s32 $0x2;
	[sflag:s1] =	ssyncpa.u1 $0x1  }
0x4c: {  	[sflag:s31] =	ssyncpa.u1 $0x1  }
0x4d: {  	p0 =	sne.s32 s3, $0x0;
	_ =	strace $0x9000004A  }
0x4e: {  	s0 =	sadd.s32 @!p0 $0x100000, s0;
	[bflag:$0x2] =	sbarrier.arrive $0xFFFF  }
0x4f: {  	[sflag:s0] =	ssyncadd.tile.s32 @!p0 $0x1;
	_ =	shalt  }
.Lfunc_end1:
_tile_overlayer_lowered:
.L_overlay_start_2:
0x50: {  	(tag) =	ssettag $0x2  }
0x51: {  	s0 =	rddreg [dreg:$0x0];
	s2 =	stileid.u32  }
0x52: {  	s1 =	rddreg [dreg:$0x1];
	p0 =	sne.s32 s2, $0x0  }
0x53: {  	s3 =	rddreg [dreg:$0x2];
	[bflag:$0x3] =	sbarrier.arrive $0xFFFF;
	s2 =	simm.s32 @!p0 $0x1C01  }
0x54: {  	[timem:s3], [sflag:s2] =	dma.local @!p0 [hbm:s0], s1  }
0x55: {  	s0 =	simm.s32 @!p0 $0x1  }
0x56: {  	_ =	swait.ge @!p0 [sflag:s0], s1  }
0x57: {  	s1 =	ssub.s32 @!p0 $0x0, s1;
	[sflag:s0] =	ssyncset.done @!p0 $0x0  }
0x58: {  	[sflag:s0] =	ssyncadd.s32 @!p0 s1  }
0x59: {  	[bflag:$0x3] =	sbarrier.arrive $0xFFFF  }
0x5a: {  	_ =	shalt  }

</sc_bundles>
